<compile_context>
chip_gen: v7x
topology: tpu7x:2x2x1
jax: 0.10.2.dev20260603
libtpu: 0.0.44.dev20260713+nightly
codegen_flags: <defaults>
</compile_context>

<pallas_src>
import functools

import jax
import jax.numpy as jnp
from jax import lax
from jax.experimental import pallas as pl
from jax.experimental.pallas import tpu as pltpu
from jax.experimental.pallas import tpu_sc as plsc

_VOCAB = 1000000
_D = 32
_B = 16384
_H = 50

_NUM_WORKERS = 32
_BW = _B // _NUM_WORKERS
_LANES = 16


def _make_lookup():
  mesh = plsc.VectorSubcoreMesh(core_axis_name="c", subcore_axis_name="s")

  @functools.partial(
      pl.kernel,
      mesh=mesh,
      out_type=jax.ShapeDtypeStruct((_H, _D, _B), jnp.float32),
      scratch_types=[
          pltpu.VMEM((_H, _BW), jnp.int32),
          [pltpu.VMEM((_BW, _D), jnp.float32)] * 2,
          [pltpu.VMEM((_D, _BW + 4), jnp.float32)] * 2,
          [pltpu.SemaphoreType.DMA] * 2,
          [pltpu.SemaphoreType.DMA] * 2,
      ],
      compiler_params=pltpu.CompilerParams(
          use_tc_tiling_on_sc=False, needs_layout_passes=False),
  )
  def lookup(idx_hbm, table_hbm, out_hbm, idxv, rows, rowts, gsems, wsems):
    wid = lax.axis_index("s") * 2 + lax.axis_index("c")
    b0 = wid * _BW
    iot = lax.iota(jnp.int32, 16)

    pltpu.sync_copy(idx_hbm.at[:, pl.ds(b0, _BW)], idxv)

    def gstart(par, h):
      pltpu.async_copy(table_hbm.at[idxv.at[h]], rows[par], gsems[par])

    def gwait(par):
      pltpu.make_async_copy(table_hbm.at[idxv.at[0]], rows[par],
                            gsems[par]).wait()

    def wstart(par, h):
      pltpu.async_copy(rowts[par].at[:, pl.ds(0, _BW)],
                       out_hbm.at[h, :, pl.ds(b0, _BW)], wsems[par])

    def wwait(par):
      pltpu.make_async_copy(rowts[par].at[:, pl.ds(0, _BW)],
                            out_hbm.at[0, :, pl.ds(b0, _BW)],
                            wsems[par]).wait()

    didx = (lax.iota(jnp.int32, 16), lax.iota(jnp.int32, 16) + 16)

    def transpose(par):
      r = rows[par]
      rt = rowts[par]

      def bbody(b16, carry):
        for bb in range(16):
          b = b16 * 16 + bb
          colb = jnp.zeros((16,), jnp.int32) + b
          for dh in range(2):
            plsc.store_scatter(rt, [didx[dh], colb],
                               r[b, pl.ds(dh * _LANES, _LANES)])
        return carry

      lax.fori_loop(0, _BW // 16, bbody, 0)

    gstart(0, 0)
    gstart(1, 1)

    def step(k, carry):
      for par in (0, 1):
        h = 2 * k + par
        gwait(par)

        @pl.when(h >= 2)
        def _():
          wwait(par)

        transpose(par)
        wstart(par, h)

        @pl.when(h + 2 < _H)
        def _():
          gstart(par, h + 2)

      return carry

    lax.fori_loop(0, _H // 2, step, 0)
    wwait(0)
    wwait(1)

  return lookup


_lookup = _make_lookup()


@jax.jit
def kernel(inputs, embeddings):
  idx_hm = jnp.transpose(inputs, (1, 0)).astype(jnp.int32)
  out_hdb = _lookup(idx_hm, embeddings)
  return jnp.transpose(out_hdb, (2, 0, 1))

# --- scband reference (transcript-rebuilt; emitter-appended) ---
"""Pipeline reference for scband-embedding-42915313221764 (READ-ONLY COPY).

The authoritative reference and input builder live on the scoring server;
editing this copy changes nothing except your own understanding.
"""

import jax, jax.numpy as jnp
import numpy as np

VOCAB = 1000000
EMBED_DIM = 32
BATCH = 16384
HIST = 50

def setup_inputs(seed: int = 0) -> dict:
    key = jax.random.key(seed)
    k1, k2 = jax.random.split(key)
    inputs = jax.random.randint(k1, (BATCH, HIST), 0, VOCAB, dtype=jnp.int64 if jax.config.jax_enable_x64 else jnp.int32)
    # embedding table, 'uniform' keras initializer default range (-0.05, 0.05)
    embeddings = jax.random.uniform(k2, (VOCAB, EMBED_DIM), minval=-0.05, maxval=0.05, dtype=jnp.float32)
    return {"inputs": inputs, "embeddings": embeddings}

def reference(inputs, embeddings):
    # Faithful translation of embedding_ops.embedding_lookup
    return jnp.take(embeddings, inputs, axis=0)

if __name__ == "__main__":
    import jax
    _d = setup_inputs()
    print(jax.jit(kernel)(*tuple(_d.values())))

</pallas_src>

<mosaic_0001>
#map = affine_map<(d0, d1) -> (0, 0)>
#map1 = affine_map<(d0, d1) -> (0, 0, 0)>
module attributes {stable_mosaic.version = 14 : i64} {
  func.func @lookup(%arg0: i32, %arg1: i32, %arg2: memref<50x16384xi32, #tpu.memory_space<hbm>>, %arg3: memref<1000000x32xf32, #tpu.memory_space<hbm>>, %arg4: memref<50x32x16384xf32, #tpu.memory_space<hbm>>, %arg5: memref<50x512xi32, #tpu.memory_space<vmem>>, %arg6: memref<512x32xf32, #tpu.memory_space<vmem>>, %arg7: memref<512x32xf32, #tpu.memory_space<vmem>>, %arg8: memref<32x516xf32, #tpu.memory_space<vmem>>, %arg9: memref<32x516xf32, #tpu.memory_space<vmem>>, %arg10: memref<!tpu.dma_semaphore, #tpu.memory_space<semaphore_mem>>, %arg11: memref<!tpu.dma_semaphore, #tpu.memory_space<semaphore_mem>>, %arg12: memref<!tpu.dma_semaphore, #tpu.memory_space<semaphore_mem>>, %arg13: memref<!tpu.dma_semaphore, #tpu.memory_space<semaphore_mem>>) attributes {dimension_semantics = [#tpu.dimension_semantics<core_parallel>, #tpu.dimension_semantics<subcore_parallel>], iteration_bounds = array<i64: 2, 16>, scalar_prefetch = 0 : i64, scratch_operands = 9 : i64, tpu.core_type = #tpu.core_type<sc_vector_subcore>, window_params = [{transform_indices = #map}, {transform_indices = #map}, {transform_indices = #map1}]} {
    %mul3A = arith.constant 2 : i32
    %mul3A_0 = arith.muli %arg1, %mul3A : i32
    %add3A = arith.addi %mul3A_0, %arg0 : i32
    %mul3A_1 = arith.constant 512 : i32
    %mul3A_2 = arith.muli %add3A, %mul3A_1 : i32
    %iota3A = tpu.iota {dimensions = array<i32: 0>} : vector<16xi32>
    "tpu.region"() ({
      %run_scoped3A = tpu.sem_alloc : memref<!tpu.dma_semaphore, #tpu.memory_space<semaphore_mem>>
      %dma_start3A_51 = arith.constant 0 : i32
      %dma_start3A_52 = tpu.memref_slice %arg2[%dma_start3A_51, %mul3A_2] : memref<50x16384xi32, #tpu.memory_space<hbm>> -> memref<50x512xi32, #tpu.memory_space<hbm>>
      %dma_start3A_53 = arith.constant 0 : i32
      %dma_start3A_54 = tpu.memref_slice %arg2[%dma_start3A_53, %mul3A_2] : memref<50x16384xi32, #tpu.memory_space<hbm>> -> memref<50x512xi32, #tpu.memory_space<hbm>>
      tpu.enqueue_dma source(%dma_start3A_54 : memref<50x512xi32, #tpu.memory_space<hbm>>) target(%arg5 : memref<50x512xi32, #tpu.memory_space<vmem>>) target_semaphore(%run_scoped3A : memref<!tpu.dma_semaphore, #tpu.memory_space<semaphore_mem>>)
      %dma_wait3A_55 = arith.constant 0 : i32
      %dma_wait3A_56 = tpu.memref_slice %arg2[%dma_wait3A_55, %mul3A_2] : memref<50x16384xi32, #tpu.memory_space<hbm>> -> memref<50x512xi32, #tpu.memory_space<hbm>>
      %dma_wait3A_57 = arith.constant 0 : i32
      %dma_wait3A_58 = tpu.memref_slice %arg2[%dma_wait3A_57, %mul3A_2] : memref<50x16384xi32, #tpu.memory_space<hbm>> -> memref<50x512xi32, #tpu.memory_space<hbm>>
      tpu.wait_dma2 semaphore(%run_scoped3A : memref<!tpu.dma_semaphore, #tpu.memory_space<semaphore_mem>>) src(%dma_wait3A_58 : memref<50x512xi32, #tpu.memory_space<hbm>>) dst(%arg5 : memref<50x512xi32, #tpu.memory_space<vmem>>)
      tpu.yield
    }) : () -> ()
    %iota3A_3 = tpu.iota {dimensions = array<i32: 0>} : vector<16xi32>
    %iota3A_4 = tpu.iota {dimensions = array<i32: 0>} : vector<16xi32>
    %add3A_5 = arith.constant 16 : i32
    %add3A_6 = vector.broadcast %add3A_5 : i32 to vector<16xi32>
    %add3A_7 = arith.addi %iota3A_4, %add3A_6 : vector<16xi32>
    %dma_start3A = arith.constant 0 : i32
    %dma_start3A_8 = arith.constant 0 : i32
    %dma_start3A_9 = tpu.memref_slice %arg5[%dma_start3A, %dma_start3A_8] : memref<50x512xi32, #tpu.memory_space<vmem>> -> memref<1x512xi32, #tpu.memory_space<vmem>>
    %dma_start3A_10 = tpu.memref_squeeze %dma_start3A_9 : memref<1x512xi32, #tpu.memory_space<vmem>> -> memref<512xi32, #tpu.memory_space<vmem>>
    %dma_start3A_11 = arith.constant 0 : i32
    %dma_start3A_12 = arith.constant 0 : i32
    %dma_start3A_13 = tpu.memref_slice %arg3[%dma_start3A_11, %dma_start3A_12] : memref<1000000x32xf32, #tpu.memory_space<hbm>> -> memref<1000000x32xf32, #tpu.memory_space<hbm>>
    tpu.enqueue_indirect_dma source(%dma_start3A_13 : memref<1000000x32xf32, #tpu.memory_space<hbm>>) target(%arg6 : memref<512x32xf32, #tpu.memory_space<vmem>>) offsets(%dma_start3A_10 : memref<512xi32, #tpu.memory_space<vmem>>) semaphore(%arg10 : memref<!tpu.dma_semaphore, #tpu.memory_space<semaphore_mem>>)
    %dma_start3A_14 = arith.constant 1 : i32
    %dma_start3A_15 = arith.constant 0 : i32
    %dma_start3A_16 = tpu.memref_slice %arg5[%dma_start3A_14, %dma_start3A_15] : memref<50x512xi32, #tpu.memory_space<vmem>> -> memref<1x512xi32, #tpu.memory_space<vmem>>
    %dma_start3A_17 = tpu.memref_squeeze %dma_start3A_16 : memref<1x512xi32, #tpu.memory_space<vmem>> -> memref<512xi32, #tpu.memory_space<vmem>>
    %dma_start3A_18 = arith.constant 0 : i32
    %dma_start3A_19 = arith.constant 0 : i32
    %dma_start3A_20 = tpu.memref_slice %arg3[%dma_start3A_18, %dma_start3A_19] : memref<1000000x32xf32, #tpu.memory_space<hbm>> -> memref<1000000x32xf32, #tpu.memory_space<hbm>>
    tpu.enqueue_indirect_dma source(%dma_start3A_20 : memref<1000000x32xf32, #tpu.memory_space<hbm>>) target(%arg7 : memref<512x32xf32, #tpu.memory_space<vmem>>) offsets(%dma_start3A_17 : memref<512xi32, #tpu.memory_space<vmem>>) semaphore(%arg11 : memref<!tpu.dma_semaphore, #tpu.memory_space<semaphore_mem>>)
    %scan3A = arith.constant 0 : i32
    %scan3A_21 = arith.constant 0 : i32
    %scan3A_22 = arith.constant 25 : i32
    %scan3A_23 = arith.addi %scan3A_21, %scan3A_22 : i32
    %scan3A_24 = arith.constant 1 : i32
    scf.for %scan3A_51 = %scan3A_21 to %scan3A_23 step %scan3A_24  : i32 {
      %mul3A_52 = arith.constant 2 : i32
      %mul3A_53 = arith.muli %mul3A_52, %scan3A_51 : i32
      %add3A_54 = arith.constant 0 : i32
      %add3A_55 = arith.addi %mul3A_53, %add3A_54 : i32
      %dma_wait3A_56 = arith.constant 0 : i32
      %dma_wait3A_57 = arith.constant 0 : i32
      %dma_wait3A_58 = tpu.memref_slice %arg5[%dma_wait3A_56, %dma_wait3A_57] : memref<50x512xi32, #tpu.memory_space<vmem>> -> memref<1x512xi32, #tpu.memory_space<vmem>>
      %dma_wait3A_59 = tpu.memref_squeeze %dma_wait3A_58 : memref<1x512xi32, #tpu.memory_space<vmem>> -> memref<512xi32, #tpu.memory_space<vmem>>
      %dma_wait3A_60 = arith.constant 0 : i32
      %dma_wait3A_61 = arith.constant 0 : i32
      %dma_wait3A_62 = tpu.memref_slice %arg3[%dma_wait3A_60, %dma_wait3A_61] : memref<1000000x32xf32, #tpu.memory_space<hbm>> -> memref<1000000x32xf32, #tpu.memory_space<hbm>>
      tpu.wait_indirect_dma semaphore(%arg10 : memref<!tpu.dma_semaphore, #tpu.memory_space<semaphore_mem>>) src(%dma_wait3A_62 : memref<1000000x32xf32, #tpu.memory_space<hbm>>) dst(%arg6 : memref<512x32xf32, #tpu.memory_space<vmem>>)
      %ge3A = arith.constant 2 : i32
      %ge3A_63 = arith.cmpi sge, %add3A_55, %ge3A : i32
      %convert_element_type3A = arith.extui %ge3A_63 : i1 to i32
      %cond3A = arith.constant 0 : i32
      %cond3A_64 = arith.cmpi ne, %convert_element_type3A, %cond3A : i32
      scf.if %cond3A_64 {
        %dma_wait3A_130 = arith.constant 0 : i32
        %dma_wait3A_131 = arith.constant 0 : i32
        %dma_wait3A_132 = arith.constant 0 : i32
        %dma_wait3A_133 = tpu.memref_slice %arg8[%dma_wait3A_131, %dma_wait3A_132] : memref<32x516xf32, #tpu.memory_space<vmem>> -> memref<32x512xf32, #tpu.memory_space<vmem>>
        %dma_wait3A_134 = arith.constant 0 : i32
        %dma_wait3A_135 = tpu.memref_slice %arg4[%dma_wait3A_130, %dma_wait3A_134, %mul3A_2] : memref<50x32x16384xf32, #tpu.memory_space<hbm>> -> memref<1x32x512xf32, #tpu.memory_space<hbm>>
        %dma_wait3A_136 = tpu.memref_squeeze %dma_wait3A_135 : memref<1x32x512xf32, #tpu.memory_space<hbm>> -> memref<32x512xf32, #tpu.memory_space<hbm>>
        %dma_wait3A_137 = arith.constant 0 : i32
        %dma_wait3A_138 = tpu.memref_slice %arg4[%dma_wait3A_130, %dma_wait3A_137, %mul3A_2] : memref<50x32x16384xf32, #tpu.memory_space<hbm>> -> memref<1x32x512xf32, #tpu.memory_space<hbm>>
        %dma_wait3A_139 = tpu.memref_squeeze %dma_wait3A_138 : memref<1x32x512xf32, #tpu.memory_space<hbm>> -> memref<32x512xf32, #tpu.memory_space<hbm>>
        %dma_wait3A_140 = arith.constant 0 : i32
        %dma_wait3A_141 = arith.constant 0 : i32
        %dma_wait3A_142 = tpu.memref_slice %arg8[%dma_wait3A_140, %dma_wait3A_141] : memref<32x516xf32, #tpu.memory_space<vmem>> -> memref<32x512xf32, #tpu.memory_space<vmem>>
        tpu.wait_dma2 semaphore(%arg12 : memref<!tpu.dma_semaphore, #tpu.memory_space<semaphore_mem>>) src(%dma_wait3A_142 : memref<32x512xf32, #tpu.memory_space<vmem>>) dst(%dma_wait3A_139 : memref<32x512xf32, #tpu.memory_space<hbm>>)
      } else {
      }
      %scan3A_65 = arith.constant 0 : i32
      %scan3A_66 = arith.constant 0 : i32
      %scan3A_67 = arith.constant 32 : i32
      %scan3A_68 = arith.addi %scan3A_66, %scan3A_67 : i32
      %scan3A_69 = arith.constant 1 : i32
      scf.for %scan3A_130 = %scan3A_66 to %scan3A_68 step %scan3A_69  : i32 {
        %mul3A_131 = arith.constant 16 : i32
        %mul3A_132 = arith.muli %scan3A_130, %mul3A_131 : i32
        %add3A_133 = arith.constant 0 : i32
        %add3A_134 = arith.addi %mul3A_132, %add3A_133 : i32
        %broadcast_in_dim3A = arith.constant 0 : i32
        %broadcast_in_dim3A_135 = vector.broadcast %broadcast_in_dim3A : i32 to vector<16xi32>
        %add3A_136 = vector.broadcast %add3A_134 : i32 to vector<16xi32>
        %add3A_137 = arith.addi %broadcast_in_dim3A_135, %add3A_136 : vector<16xi32>
        %get3A = arith.index_cast %add3A_134 : i32 to index
        %get3A_138 = arith.constant 0 : index
        %get3A_139 = tpu.vector_load %arg6[%get3A, %get3A_138] {strides = array<i32>} : memref<512x32xf32, #tpu.memory_space<vmem>>, vector<16xf32>,
        tpu.vector_store_idx %arg8[%iota3A_3, %add3A_137], %get3A_139 : memref<32x516xf32, #tpu.memory_space<vmem>>[vector<16xi32>, vector<16xi32>], vector<16xf32>,
        %get3A_140 = arith.index_cast %add3A_134 : i32 to index
        %get3A_141 = arith.constant 16 : index
        %get3A_142 = tpu.vector_load %arg6[%get3A_140, %get3A_141] {strides = array<i32>} : memref<512x32xf32, #tpu.memory_space<vmem>>, vector<16xf32>,
        tpu.vector_store_idx %arg8[%add3A_7, %add3A_137], %get3A_142 : memref<32x516xf32, #tpu.memory_space<vmem>>[vector<16xi32>, vector<16xi32>], vector<16xf32>,
        %mul3A_143 = arith.constant 16 : i32
        %mul3A_144 = arith.muli %scan3A_130, %mul3A_143 : i32
        %add3A_145 = arith.constant 1 : i32
        %add3A_146 = arith.addi %mul3A_144, %add3A_145 : i32
        %broadcast_in_dim3A_147 = arith.constant 0 : i32
        %broadcast_in_dim3A_148 = vector.broadcast %broadcast_in_dim3A_147 : i32 to vector<16xi32>
        %add3A_149 = vector.broadcast %add3A_146 : i32 to vector<16xi32>
        %add3A_150 = arith.addi %broadcast_in_dim3A_148, %add3A_149 : vector<16xi32>
        %get3A_151 = arith.index_cast %add3A_146 : i32 to index
        %get3A_152 = arith.constant 0 : index
        %get3A_153 = tpu.vector_load %arg6[%get3A_151, %get3A_152] {strides = array<i32>} : memref<512x32xf32, #tpu.memory_space<vmem>>, vector<16xf32>,
        tpu.vector_store_idx %arg8[%iota3A_3, %add3A_150], %get3A_153 : memref<32x516xf32, #tpu.memory_space<vmem>>[vector<16xi32>, vector<16xi32>], vector<16xf32>,
        %get3A_154 = arith.index_cast %add3A_146 : i32 to index
        %get3A_155 = arith.constant 16 : index
        %get3A_156 = tpu.vector_load %arg6[%get3A_154, %get3A_155] {strides = array<i32>} : memref<512x32xf32, #tpu.memory_space<vmem>>, vector<16xf32>,
        tpu.vector_store_idx %arg8[%add3A_7, %add3A_150], %get3A_156 : memref<32x516xf32, #tpu.memory_space<vmem>>[vector<16xi32>, vector<16xi32>], vector<16xf32>,
        %mul3A_157 = arith.constant 16 : i32
        %mul3A_158 = arith.muli %scan3A_130, %mul3A_157 : i32
        %add3A_159 = arith.constant 2 : i32
        %add3A_160 = arith.addi %mul3A_158, %add3A_159 : i32
        %broadcast_in_dim3A_161 = arith.constant 0 : i32
        %broadcast_in_dim3A_162 = vector.broadcast %broadcast_in_dim3A_161 : i32 to vector<16xi32>
        %add3A_163 = vector.broadcast %add3A_160 : i32 to vector<16xi32>
        %add3A_164 = arith.addi %broadcast_in_dim3A_162, %add3A_163 : vector<16xi32>
        %get3A_165 = arith.index_cast %add3A_160 : i32 to index
        %get3A_166 = arith.constant 0 : index
        %get3A_167 = tpu.vector_load %arg6[%get3A_165, %get3A_166] {strides = array<i32>} : memref<512x32xf32, #tpu.memory_space<vmem>>, vector<16xf32>,
        tpu.vector_store_idx %arg8[%iota3A_3, %add3A_164], %get3A_167 : memref<32x516xf32, #tpu.memory_space<vmem>>[vector<16xi32>, vector<16xi32>], vector<16xf32>,
        %get3A_168 = arith.index_cast %add3A_160 : i32 to index
        %get3A_169 = arith.constant 16 : index
        %get3A_170 = tpu.vector_load %arg6[%get3A_168, %get3A_169] {strides = array<i32>} : memref<512x32xf32, #tpu.memory_space<vmem>>, vector<16xf32>,
        tpu.vector_store_idx %arg8[%add3A_7, %add3A_164], %get3A_170 : memref<32x516xf32, #tpu.memory_space<vmem>>[vector<16xi32>, vector<16xi32>], vector<16xf32>,
        %mul3A_171 = arith.constant 16 : i32
        %mul3A_172 = arith.muli %scan3A_130, %mul3A_171 : i32
        %add3A_173 = arith.constant 3 : i32
        %add3A_174 = arith.addi %mul3A_172, %add3A_173 : i32
        %broadcast_in_dim3A_175 = arith.constant 0 : i32
        %broadcast_in_dim3A_176 = vector.broadcast %broadcast_in_dim3A_175 : i32 to vector<16xi32>
        %add3A_177 = vector.broadcast %add3A_174 : i32 to vector<16xi32>
        %add3A_178 = arith.addi %broadcast_in_dim3A_176, %add3A_177 : vector<16xi32>
        %get3A_179 = arith.index_cast %add3A_174 : i32 to index
        %get3A_180 = arith.constant 0 : index
        %get3A_181 = tpu.vector_load %arg6[%get3A_179, %get3A_180] {strides = array<i32>} : memref<512x32xf32, #tpu.memory_space<vmem>>, vector<16xf32>,
        tpu.vector_store_idx %arg8[%iota3A_3, %add3A_178], %get3A_181 : memref<32x516xf32, #tpu.memory_space<vmem>>[vector<16xi32>, vector<16xi32>], vector<16xf32>,
        %get3A_182 = arith.index_cast %add3A_174 : i32 to index
        %get3A_183 = arith.constant 16 : index
        %get3A_184 = tpu.vector_load %arg6[%get3A_182, %get3A_183] {strides = array<i32>} : memref<512x32xf32, #tpu.memory_space<vmem>>, vector<16xf32>,
        tpu.vector_store_idx %arg8[%add3A_7, %add3A_178], %get3A_184 : memref<32x516xf32, #tpu.memory_space<vmem>>[vector<16xi32>, vector<16xi32>], vector<16xf32>,
        %mul3A_185 = arith.constant 16 : i32
        %mul3A_186 = arith.muli %scan3A_130, %mul3A_185 : i32
        %add3A_187 = arith.constant 4 : i32
        %add3A_188 = arith.addi %mul3A_186, %add3A_187 : i32
        %broadcast_in_dim3A_189 = arith.constant 0 : i32
        %broadcast_in_dim3A_190 = vector.broadcast %broadcast_in_dim3A_189 : i32 to vector<16xi32>
        %add3A_191 = vector.broadcast %add3A_188 : i32 to vector<16xi32>
        %add3A_192 = arith.addi %broadcast_in_dim3A_190, %add3A_191 : vector<16xi32>
        %get3A_193 = arith.index_cast %add3A_188 : i32 to index
        %get3A_194 = arith.constant 0 : index
        %get3A_195 = tpu.vector_load %arg6[%get3A_193, %get3A_194] {strides = array<i32>} : memref<512x32xf32, #tpu.memory_space<vmem>>, vector<16xf32>,
        tpu.vector_store_idx %arg8[%iota3A_3, %add3A_192], %get3A_195 : memref<32x516xf32, #tpu.memory_space<vmem>>[vector<16xi32>, vector<16xi32>], vector<16xf32>,
        %get3A_196 = arith.index_cast %add3A_188 : i32 to index
        %get3A_197 = arith.constant 16 : index
        %get3A_198 = tpu.vector_load %arg6[%get3A_196, %get3A_197] {strides = array<i32>} : memref<512x32xf32, #tpu.memory_space<vmem>>, vector<16xf32>,
        tpu.vector_store_idx %arg8[%add3A_7, %add3A_192], %get3A_198 : memref<32x516xf32, #tpu.memory_space<vmem>>[vector<16xi32>, vector<16xi32>], vector<16xf32>,
        %mul3A_199 = arith.constant 16 : i32
        %mul3A_200 = arith.muli %scan3A_130, %mul3A_199 : i32
        %add3A_201 = arith.constant 5 : i32
        %add3A_202 = arith.addi %mul3A_200, %add3A_201 : i32
        %broadcast_in_dim3A_203 = arith.constant 0 : i32
        %broadcast_in_dim3A_204 = vector.broadcast %broadcast_in_dim3A_203 : i32 to vector<16xi32>
        %add3A_205 = vector.broadcast %add3A_202 : i32 to vector<16xi32>
        %add3A_206 = arith.addi %broadcast_in_dim3A_204, %add3A_205 : vector<16xi32>
        %get3A_207 = arith.index_cast %add3A_202 : i32 to index
        %get3A_208 = arith.constant 0 : index
        %get3A_209 = tpu.vector_load %arg6[%get3A_207, %get3A_208] {strides = array<i32>} : memref<512x32xf32, #tpu.memory_space<vmem>>, vector<16xf32>,
        tpu.vector_store_idx %arg8[%iota3A_3, %add3A_206], %get3A_209 : memref<32x516xf32, #tpu.memory_space<vmem>>[vector<16xi32>, vector<16xi32>], vector<16xf32>,
        %get3A_210 = arith.index_cast %add3A_202 : i32 to index
        %get3A_211 = arith.constant 16 : index
        %get3A_212 = tpu.vector_load %arg6[%get3A_210, %get3A_211] {strides = array<i32>} : memref<512x32xf32, #tpu.memory_space<vmem>>, vector<16xf32>,
        tpu.vector_store_idx %arg8[%add3A_7, %add3A_206], %get3A_212 : memref<32x516xf32, #tpu.memory_space<vmem>>[vector<16xi32>, vector<16xi32>], vector<16xf32>,
        %mul3A_213 = arith.constant 16 : i32
        %mul3A_214 = arith.muli %scan3A_130, %mul3A_213 : i32
        %add3A_215 = arith.constant 6 : i32
        %add3A_216 = arith.addi %mul3A_214, %add3A_215 : i32
        %broadcast_in_dim3A_217 = arith.constant 0 : i32
        %broadcast_in_dim3A_218 = vector.broadcast %broadcast_in_dim3A_217 : i32 to vector<16xi32>
        %add3A_219 = vector.broadcast %add3A_216 : i32 to vector<16xi32>
        %add3A_220 = arith.addi %broadcast_in_dim3A_218, %add3A_219 : vector<16xi32>
        %get3A_221 = arith.index_cast %add3A_216 : i32 to index
        %get3A_222 = arith.constant 0 : index
        %get3A_223 = tpu.vector_load %arg6[%get3A_221, %get3A_222] {strides = array<i32>} : memref<512x32xf32, #tpu.memory_space<vmem>>, vector<16xf32>,
        tpu.vector_store_idx %arg8[%iota3A_3, %add3A_220], %get3A_223 : memref<32x516xf32, #tpu.memory_space<vmem>>[vector<16xi32>, vector<16xi32>], vector<16xf32>,
        %get3A_224 = arith.index_cast %add3A_216 : i32 to index
        %get3A_225 = arith.constant 16 : index
        %get3A_226 = tpu.vector_load %arg6[%get3A_224, %get3A_225] {strides = array<i32>} : memref<512x32xf32, #tpu.memory_space<vmem>>, vector<16xf32>,
        tpu.vector_store_idx %arg8[%add3A_7, %add3A_220], %get3A_226 : memref<32x516xf32, #tpu.memory_space<vmem>>[vector<16xi32>, vector<16xi32>], vector<16xf32>,
        %mul3A_227 = arith.constant 16 : i32
        %mul3A_228 = arith.muli %scan3A_130, %mul3A_227 : i32
        %add3A_229 = arith.constant 7 : i32
        %add3A_230 = arith.addi %mul3A_228, %add3A_229 : i32
        %broadcast_in_dim3A_231 = arith.constant 0 : i32
        %broadcast_in_dim3A_232 = vector.broadcast %broadcast_in_dim3A_231 : i32 to vector<16xi32>
        %add3A_233 = vector.broadcast %add3A_230 : i32 to vector<16xi32>
        %add3A_234 = arith.addi %broadcast_in_dim3A_232, %add3A_233 : vector<16xi32>
        %get3A_235 = arith.index_cast %add3A_230 : i32 to index
        %get3A_236 = arith.constant 0 : index
        %get3A_237 = tpu.vector_load %arg6[%get3A_235, %get3A_236] {strides = array<i32>} : memref<512x32xf32, #tpu.memory_space<vmem>>, vector<16xf32>,
        tpu.vector_store_idx %arg8[%iota3A_3, %add3A_234], %get3A_237 : memref<32x516xf32, #tpu.memory_space<vmem>>[vector<16xi32>, vector<16xi32>], vector<16xf32>,
        %get3A_238 = arith.index_cast %add3A_230 : i32 to index
        %get3A_239 = arith.constant 16 : index
        %get3A_240 = tpu.vector_load %arg6[%get3A_238, %get3A_239] {strides = array<i32>} : memref<512x32xf32, #tpu.memory_space<vmem>>, vector<16xf32>,
        tpu.vector_store_idx %arg8[%add3A_7, %add3A_234], %get3A_240 : memref<32x516xf32, #tpu.memory_space<vmem>>[vector<16xi32>, vector<16xi32>], vector<16xf32>,
        %mul3A_241 = arith.constant 16 : i32
        %mul3A_242 = arith.muli %scan3A_130, %mul3A_241 : i32
        %add3A_243 = arith.constant 8 : i32
        %add3A_244 = arith.addi %mul3A_242, %add3A_243 : i32
        %broadcast_in_dim3A_245 = arith.constant 0 : i32
        %broadcast_in_dim3A_246 = vector.broadcast %broadcast_in_dim3A_245 : i32 to vector<16xi32>
        %add3A_247 = vector.broadcast %add3A_244 : i32 to vector<16xi32>
        %add3A_248 = arith.addi %broadcast_in_dim3A_246, %add3A_247 : vector<16xi32>
        %get3A_249 = arith.index_cast %add3A_244 : i32 to index
        %get3A_250 = arith.constant 0 : index
        %get3A_251 = tpu.vector_load %arg6[%get3A_249, %get3A_250] {strides = array<i32>} : memref<512x32xf32, #tpu.memory_space<vmem>>, vector<16xf32>,
        tpu.vector_store_idx %arg8[%iota3A_3, %add3A_248], %get3A_251 : memref<32x516xf32, #tpu.memory_space<vmem>>[vector<16xi32>, vector<16xi32>], vector<16xf32>,
        %get3A_252 = arith.index_cast %add3A_244 : i32 to index
        %get3A_253 = arith.constant 16 : index
        %get3A_254 = tpu.vector_load %arg6[%get3A_252, %get3A_253] {strides = array<i32>} : memref<512x32xf32, #tpu.memory_space<vmem>>, vector<16xf32>,
        tpu.vector_store_idx %arg8[%add3A_7, %add3A_248], %get3A_254 : memref<32x516xf32, #tpu.memory_space<vmem>>[vector<16xi32>, vector<16xi32>], vector<16xf32>,
        %mul3A_255 = arith.constant 16 : i32
        %mul3A_256 = arith.muli %scan3A_130, %mul3A_255 : i32
        %add3A_257 = arith.constant 9 : i32
        %add3A_258 = arith.addi %mul3A_256, %add3A_257 : i32
        %broadcast_in_dim3A_259 = arith.constant 0 : i32
        %broadcast_in_dim3A_260 = vector.broadcast %broadcast_in_dim3A_259 : i32 to vector<16xi32>
        %add3A_261 = vector.broadcast %add3A_258 : i32 to vector<16xi32>
        %add3A_262 = arith.addi %broadcast_in_dim3A_260, %add3A_261 : vector<16xi32>
        %get3A_263 = arith.index_cast %add3A_258 : i32 to index
        %get3A_264 = arith.constant 0 : index
        %get3A_265 = tpu.vector_load %arg6[%get3A_263, %get3A_264] {strides = array<i32>} : memref<512x32xf32, #tpu.memory_space<vmem>>, vector<16xf32>,
        tpu.vector_store_idx %arg8[%iota3A_3, %add3A_262], %get3A_265 : memref<32x516xf32, #tpu.memory_space<vmem>>[vector<16xi32>, vector<16xi32>], vector<16xf32>,
        %get3A_266 = arith.index_cast %add3A_258 : i32 to index
        %get3A_267 = arith.constant 16 : index
        %get3A_268 = tpu.vector_load %arg6[%get3A_266, %get3A_267] {strides = array<i32>} : memref<512x32xf32, #tpu.memory_space<vmem>>, vector<16xf32>,
        tpu.vector_store_idx %arg8[%add3A_7, %add3A_262], %get3A_268 : memref<32x516xf32, #tpu.memory_space<vmem>>[vector<16xi32>, vector<16xi32>], vector<16xf32>,
        %mul3A_269 = arith.constant 16 : i32
        %mul3A_270 = arith.muli %scan3A_130, %mul3A_269 : i32
        %add3A_271 = arith.constant 10 : i32
        %add3A_272 = arith.addi %mul3A_270, %add3A_271 : i32
        %broadcast_in_dim3A_273 = arith.constant 0 : i32
        %broadcast_in_dim3A_274 = vector.broadcast %broadcast_in_dim3A_273 : i32 to vector<16xi32>
        %add3A_275 = vector.broadcast %add3A_272 : i32 to vector<16xi32>
        %add3A_276 = arith.addi %broadcast_in_dim3A_274, %add3A_275 : vector<16xi32>
        %get3A_277 = arith.index_cast %add3A_272 : i32 to index
        %get3A_278 = arith.constant 0 : index
        %get3A_279 = tpu.vector_load %arg6[%get3A_277, %get3A_278] {strides = array<i32>} : memref<512x32xf32, #tpu.memory_space<vmem>>, vector<16xf32>,
        tpu.vector_store_idx %arg8[%iota3A_3, %add3A_276], %get3A_279 : memref<32x516xf32, #tpu.memory_space<vmem>>[vector<16xi32>, vector<16xi32>], vector<16xf32>,
        %get3A_280 = arith.index_cast %add3A_272 : i32 to index
        %get3A_281 = arith.constant 16 : index
        %get3A_282 = tpu.vector_load %arg6[%get3A_280, %get3A_281] {strides = array<i32>} : memref<512x32xf32, #tpu.memory_space<vmem>>, vector<16xf32>,
        tpu.vector_store_idx %arg8[%add3A_7, %add3A_276], %get3A_282 : memref<32x516xf32, #tpu.memory_space<vmem>>[vector<16xi32>, vector<16xi32>], vector<16xf32>,
        %mul3A_283 = arith.constant 16 : i32
        %mul3A_284 = arith.muli %scan3A_130, %mul3A_283 : i32
        %add3A_285 = arith.constant 11 : i32
        %add3A_286 = arith.addi %mul3A_284, %add3A_285 : i32
        %broadcast_in_dim3A_287 = arith.constant 0 : i32
        %broadcast_in_dim3A_288 = vector.broadcast %broadcast_in_dim3A_287 : i32 to vector<16xi32>
        %add3A_289 = vector.broadcast %add3A_286 : i32 to vector<16xi32>
        %add3A_290 = arith.addi %broadcast_in_dim3A_288, %add3A_289 : vector<16xi32>
        %get3A_291 = arith.index_cast %add3A_286 : i32 to index
        %get3A_292 = arith.constant 0 : index
        %get3A_293 = tpu.vector_load %arg6[%get3A_291, %get3A_292] {strides = array<i32>} : memref<512x32xf32, #tpu.memory_space<vmem>>, vector<16xf32>,
        tpu.vector_store_idx %arg8[%iota3A_3, %add3A_290], %get3A_293 : memref<32x516xf32, #tpu.memory_space<vmem>>[vector<16xi32>, vector<16xi32>], vector<16xf32>,
        %get3A_294 = arith.index_cast %add3A_286 : i32 to index
        %get3A_295 = arith.constant 16 : index
        %get3A_296 = tpu.vector_load %arg6[%get3A_294, %get3A_295] {strides = array<i32>} : memref<512x32xf32, #tpu.memory_space<vmem>>, vector<16xf32>,
        tpu.vector_store_idx %arg8[%add3A_7, %add3A_290], %get3A_296 : memref<32x516xf32, #tpu.memory_space<vmem>>[vector<16xi32>, vector<16xi32>], vector<16xf32>,
        %mul3A_297 = arith.constant 16 : i32
        %mul3A_298 = arith.muli %scan3A_130, %mul3A_297 : i32
        %add3A_299 = arith.constant 12 : i32
        %add3A_300 = arith.addi %mul3A_298, %add3A_299 : i32
        %broadcast_in_dim3A_301 = arith.constant 0 : i32
        %broadcast_in_dim3A_302 = vector.broadcast %broadcast_in_dim3A_301 : i32 to vector<16xi32>
        %add3A_303 = vector.broadcast %add3A_300 : i32 to vector<16xi32>
        %add3A_304 = arith.addi %broadcast_in_dim3A_302, %add3A_303 : vector<16xi32>
        %get3A_305 = arith.index_cast %add3A_300 : i32 to index
        %get3A_306 = arith.constant 0 : index
        %get3A_307 = tpu.vector_load %arg6[%get3A_305, %get3A_306] {strides = array<i32>} : memref<512x32xf32, #tpu.memory_space<vmem>>, vector<16xf32>,
        tpu.vector_store_idx %arg8[%iota3A_3, %add3A_304], %get3A_307 : memref<32x516xf32, #tpu.memory_space<vmem>>[vector<16xi32>, vector<16xi32>], vector<16xf32>,
        %get3A_308 = arith.index_cast %add3A_300 : i32 to index
        %get3A_309 = arith.constant 16 : index
        %get3A_310 = tpu.vector_load %arg6[%get3A_308, %get3A_309] {strides = array<i32>} : memref<512x32xf32, #tpu.memory_space<vmem>>, vector<16xf32>,
        tpu.vector_store_idx %arg8[%add3A_7, %add3A_304], %get3A_310 : memref<32x516xf32, #tpu.memory_space<vmem>>[vector<16xi32>, vector<16xi32>], vector<16xf32>,
        %mul3A_311 = arith.constant 16 : i32
        %mul3A_312 = arith.muli %scan3A_130, %mul3A_311 : i32
        %add3A_313 = arith.constant 13 : i32
        %add3A_314 = arith.addi %mul3A_312, %add3A_313 : i32
        %broadcast_in_dim3A_315 = arith.constant 0 : i32
        %broadcast_in_dim3A_316 = vector.broadcast %broadcast_in_dim3A_315 : i32 to vector<16xi32>
        %add3A_317 = vector.broadcast %add3A_314 : i32 to vector<16xi32>
        %add3A_318 = arith.addi %broadcast_in_dim3A_316, %add3A_317 : vector<16xi32>
        %get3A_319 = arith.index_cast %add3A_314 : i32 to index
        %get3A_320 = arith.constant 0 : index
        %get3A_321 = tpu.vector_load %arg6[%get3A_319, %get3A_320] {strides = array<i32>} : memref<512x32xf32, #tpu.memory_space<vmem>>, vector<16xf32>,
        tpu.vector_store_idx %arg8[%iota3A_3, %add3A_318], %get3A_321 : memref<32x516xf32, #tpu.memory_space<vmem>>[vector<16xi32>, vector<16xi32>], vector<16xf32>,
        %get3A_322 = arith.index_cast %add3A_314 : i32 to index
        %get3A_323 = arith.constant 16 : index
        %get3A_324 = tpu.vector_load %arg6[%get3A_322, %get3A_323] {strides = array<i32>} : memref<512x32xf32, #tpu.memory_space<vmem>>, vector<16xf32>,
        tpu.vector_store_idx %arg8[%add3A_7, %add3A_318], %get3A_324 : memref<32x516xf32, #tpu.memory_space<vmem>>[vector<16xi32>, vector<16xi32>], vector<16xf32>,
        %mul3A_325 = arith.constant 16 : i32
        %mul3A_326 = arith.muli %scan3A_130, %mul3A_325 : i32
        %add3A_327 = arith.constant 14 : i32
        %add3A_328 = arith.addi %mul3A_326, %add3A_327 : i32
        %broadcast_in_dim3A_329 = arith.constant 0 : i32
        %broadcast_in_dim3A_330 = vector.broadcast %broadcast_in_dim3A_329 : i32 to vector<16xi32>
        %add3A_331 = vector.broadcast %add3A_328 : i32 to vector<16xi32>
        %add3A_332 = arith.addi %broadcast_in_dim3A_330, %add3A_331 : vector<16xi32>
        %get3A_333 = arith.index_cast %add3A_328 : i32 to index
        %get3A_334 = arith.constant 0 : index
        %get3A_335 = tpu.vector_load %arg6[%get3A_333, %get3A_334] {strides = array<i32>} : memref<512x32xf32, #tpu.memory_space<vmem>>, vector<16xf32>,
        tpu.vector_store_idx %arg8[%iota3A_3, %add3A_332], %get3A_335 : memref<32x516xf32, #tpu.memory_space<vmem>>[vector<16xi32>, vector<16xi32>], vector<16xf32>,
        %get3A_336 = arith.index_cast %add3A_328 : i32 to index
        %get3A_337 = arith.constant 16 : index
        %get3A_338 = tpu.vector_load %arg6[%get3A_336, %get3A_337] {strides = array<i32>} : memref<512x32xf32, #tpu.memory_space<vmem>>, vector<16xf32>,
        tpu.vector_store_idx %arg8[%add3A_7, %add3A_332], %get3A_338 : memref<32x516xf32, #tpu.memory_space<vmem>>[vector<16xi32>, vector<16xi32>], vector<16xf32>,
        %mul3A_339 = arith.constant 16 : i32
        %mul3A_340 = arith.muli %scan3A_130, %mul3A_339 : i32
        %add3A_341 = arith.constant 15 : i32
        %add3A_342 = arith.addi %mul3A_340, %add3A_341 : i32
        %broadcast_in_dim3A_343 = arith.constant 0 : i32
        %broadcast_in_dim3A_344 = vector.broadcast %broadcast_in_dim3A_343 : i32 to vector<16xi32>
        %add3A_345 = vector.broadcast %add3A_342 : i32 to vector<16xi32>
        %add3A_346 = arith.addi %broadcast_in_dim3A_344, %add3A_345 : vector<16xi32>
        %get3A_347 = arith.index_cast %add3A_342 : i32 to index
        %get3A_348 = arith.constant 0 : index
        %get3A_349 = tpu.vector_load %arg6[%get3A_347, %get3A_348] {strides = array<i32>} : memref<512x32xf32, #tpu.memory_space<vmem>>, vector<16xf32>,
        tpu.vector_store_idx %arg8[%iota3A_3, %add3A_346], %get3A_349 : memref<32x516xf32, #tpu.memory_space<vmem>>[vector<16xi32>, vector<16xi32>], vector<16xf32>,
        %get3A_350 = arith.index_cast %add3A_342 : i32 to index
        %get3A_351 = arith.constant 16 : index
        %get3A_352 = tpu.vector_load %arg6[%get3A_350, %get3A_351] {strides = array<i32>} : memref<512x32xf32, #tpu.memory_space<vmem>>, vector<16xf32>,
        tpu.vector_store_idx %arg8[%add3A_7, %add3A_346], %get3A_352 : memref<32x516xf32, #tpu.memory_space<vmem>>[vector<16xi32>, vector<16xi32>], vector<16xf32>,
      }
      %scan3A_70 = arith.constant 32 : i32
      %dma_start3A_71 = arith.constant 0 : i32
      %dma_start3A_72 = arith.constant 0 : i32
      %dma_start3A_73 = tpu.memref_slice %arg8[%dma_start3A_71, %dma_start3A_72] : memref<32x516xf32, #tpu.memory_space<vmem>> -> memref<32x512xf32, #tpu.memory_space<vmem>>
      %dma_start3A_74 = arith.constant 0 : i32
      %dma_start3A_75 = tpu.memref_slice %arg4[%add3A_55, %dma_start3A_74, %mul3A_2] : memref<50x32x16384xf32, #tpu.memory_space<hbm>> -> memref<1x32x512xf32, #tpu.memory_space<hbm>>
      %dma_start3A_76 = tpu.memref_squeeze %dma_start3A_75 : memref<1x32x512xf32, #tpu.memory_space<hbm>> -> memref<32x512xf32, #tpu.memory_space<hbm>>
      %dma_start3A_77 = arith.constant 0 : i32
      %dma_start3A_78 = tpu.memref_slice %arg4[%add3A_55, %dma_start3A_77, %mul3A_2] : memref<50x32x16384xf32, #tpu.memory_space<hbm>> -> memref<1x32x512xf32, #tpu.memory_space<hbm>>
      %dma_start3A_79 = tpu.memref_squeeze %dma_start3A_78 : memref<1x32x512xf32, #tpu.memory_space<hbm>> -> memref<32x512xf32, #tpu.memory_space<hbm>>
      %dma_start3A_80 = arith.constant 0 : i32
      %dma_start3A_81 = arith.constant 0 : i32
      %dma_start3A_82 = tpu.memref_slice %arg8[%dma_start3A_80, %dma_start3A_81] : memref<32x516xf32, #tpu.memory_space<vmem>> -> memref<32x512xf32, #tpu.memory_space<vmem>>
      tpu.enqueue_dma source(%dma_start3A_82 : memref<32x512xf32, #tpu.memory_space<vmem>>) target(%dma_start3A_79 : memref<32x512xf32, #tpu.memory_space<hbm>>) target_semaphore(%arg12 : memref<!tpu.dma_semaphore, #tpu.memory_space<semaphore_mem>>)
      %add3A_83 = arith.constant 2 : i32
      %add3A_84 = arith.addi %add3A_55, %add3A_83 : i32
      %lt3A = arith.constant 50 : i32
      %lt3A_85 = arith.cmpi slt, %add3A_84, %lt3A : i32
      %convert_element_type3A_86 = arith.extui %lt3A_85 : i1 to i32
      %cond3A_87 = arith.constant 0 : i32
      %cond3A_88 = arith.cmpi ne, %convert_element_type3A_86, %cond3A_87 : i32
      scf.if %cond3A_88 {
        %add3A_130 = arith.constant 2 : i32
        %add3A_131 = arith.addi %add3A_55, %add3A_130 : i32
        %dma_start3A_132 = arith.constant 0 : i32
        %dma_start3A_133 = tpu.memref_slice %arg5[%add3A_131, %dma_start3A_132] : memref<50x512xi32, #tpu.memory_space<vmem>> -> memref<1x512xi32, #tpu.memory_space<vmem>>
        %dma_start3A_134 = tpu.memref_squeeze %dma_start3A_133 : memref<1x512xi32, #tpu.memory_space<vmem>> -> memref<512xi32, #tpu.memory_space<vmem>>
        %dma_start3A_135 = arith.constant 0 : i32
        %dma_start3A_136 = arith.constant 0 : i32
        %dma_start3A_137 = tpu.memref_slice %arg3[%dma_start3A_135, %dma_start3A_136] : memref<1000000x32xf32, #tpu.memory_space<hbm>> -> memref<1000000x32xf32, #tpu.memory_space<hbm>>
        tpu.enqueue_indirect_dma source(%dma_start3A_137 : memref<1000000x32xf32, #tpu.memory_space<hbm>>) target(%arg6 : memref<512x32xf32, #tpu.memory_space<vmem>>) offsets(%dma_start3A_134 : memref<512xi32, #tpu.memory_space<vmem>>) semaphore(%arg10 : memref<!tpu.dma_semaphore, #tpu.memory_space<semaphore_mem>>)
      } else {
      }
      %mul3A_89 = arith.constant 2 : i32
      %mul3A_90 = arith.muli %mul3A_89, %scan3A_51 : i32
      %add3A_91 = arith.constant 1 : i32
      %add3A_92 = arith.addi %mul3A_90, %add3A_91 : i32
      %dma_wait3A_93 = arith.constant 0 : i32
      %dma_wait3A_94 = arith.constant 0 : i32
      %dma_wait3A_95 = tpu.memref_slice %arg5[%dma_wait3A_93, %dma_wait3A_94] : memref<50x512xi32, #tpu.memory_space<vmem>> -> memref<1x512xi32, #tpu.memory_space<vmem>>
      %dma_wait3A_96 = tpu.memref_squeeze %dma_wait3A_95 : memref<1x512xi32, #tpu.memory_space<vmem>> -> memref<512xi32, #tpu.memory_space<vmem>>
      %dma_wait3A_97 = arith.constant 0 : i32
      %dma_wait3A_98 = arith.constant 0 : i32
      %dma_wait3A_99 = tpu.memref_slice %arg3[%dma_wait3A_97, %dma_wait3A_98] : memref<1000000x32xf32, #tpu.memory_space<hbm>> -> memref<1000000x32xf32, #tpu.memory_space<hbm>>
      tpu.wait_indirect_dma semaphore(%arg11 : memref<!tpu.dma_semaphore, #tpu.memory_space<semaphore_mem>>) src(%dma_wait3A_99 : memref<1000000x32xf32, #tpu.memory_space<hbm>>) dst(%arg7 : memref<512x32xf32, #tpu.memory_space<vmem>>)
      %ge3A_100 = arith.constant 2 : i32
      %ge3A_101 = arith.cmpi sge, %add3A_92, %ge3A_100 : i32
      %convert_element_type3A_102 = arith.extui %ge3A_101 : i1 to i32
      %cond3A_103 = arith.constant 0 : i32
      %cond3A_104 = arith.cmpi ne, %convert_element_type3A_102, %cond3A_103 : i32
      scf.if %cond3A_104 {
        %dma_wait3A_130 = arith.constant 0 : i32
        %dma_wait3A_131 = arith.constant 0 : i32
        %dma_wait3A_132 = arith.constant 0 : i32
        %dma_wait3A_133 = tpu.memref_slice %arg9[%dma_wait3A_131, %dma_wait3A_132] : memref<32x516xf32, #tpu.memory_space<vmem>> -> memref<32x512xf32, #tpu.memory_space<vmem>>
        %dma_wait3A_134 = arith.constant 0 : i32
        %dma_wait3A_135 = tpu.memref_slice %arg4[%dma_wait3A_130, %dma_wait3A_134, %mul3A_2] : memref<50x32x16384xf32, #tpu.memory_space<hbm>> -> memref<1x32x512xf32, #tpu.memory_space<hbm>>
        %dma_wait3A_136 = tpu.memref_squeeze %dma_wait3A_135 : memref<1x32x512xf32, #tpu.memory_space<hbm>> -> memref<32x512xf32, #tpu.memory_space<hbm>>
        %dma_wait3A_137 = arith.constant 0 : i32
        %dma_wait3A_138 = tpu.memref_slice %arg4[%dma_wait3A_130, %dma_wait3A_137, %mul3A_2] : memref<50x32x16384xf32, #tpu.memory_space<hbm>> -> memref<1x32x512xf32, #tpu.memory_space<hbm>>
        %dma_wait3A_139 = tpu.memref_squeeze %dma_wait3A_138 : memref<1x32x512xf32, #tpu.memory_space<hbm>> -> memref<32x512xf32, #tpu.memory_space<hbm>>
        %dma_wait3A_140 = arith.constant 0 : i32
        %dma_wait3A_141 = arith.constant 0 : i32
        %dma_wait3A_142 = tpu.memref_slice %arg9[%dma_wait3A_140, %dma_wait3A_141] : memref<32x516xf32, #tpu.memory_space<vmem>> -> memref<32x512xf32, #tpu.memory_space<vmem>>
        tpu.wait_dma2 semaphore(%arg13 : memref<!tpu.dma_semaphore, #tpu.memory_space<semaphore_mem>>) src(%dma_wait3A_142 : memref<32x512xf32, #tpu.memory_space<vmem>>) dst(%dma_wait3A_139 : memref<32x512xf32, #tpu.memory_space<hbm>>)
      } else {
      }
      %scan3A_105 = arith.constant 0 : i32
      %scan3A_106 = arith.constant 0 : i32
      %scan3A_107 = arith.constant 32 : i32
      %scan3A_108 = arith.addi %scan3A_106, %scan3A_107 : i32
      %scan3A_109 = arith.constant 1 : i32
      scf.for %scan3A_130 = %scan3A_106 to %scan3A_108 step %scan3A_109  : i32 {
        %mul3A_131 = arith.constant 16 : i32
        %mul3A_132 = arith.muli %scan3A_130, %mul3A_131 : i32
        %add3A_133 = arith.constant 0 : i32
        %add3A_134 = arith.addi %mul3A_132, %add3A_133 : i32
        %broadcast_in_dim3A = arith.constant 0 : i32
        %broadcast_in_dim3A_135 = vector.broadcast %broadcast_in_dim3A : i32 to vector<16xi32>
        %add3A_136 = vector.broadcast %add3A_134 : i32 to vector<16xi32>
        %add3A_137 = arith.addi %broadcast_in_dim3A_135, %add3A_136 : vector<16xi32>
        %get3A = arith.index_cast %add3A_134 : i32 to index
        %get3A_138 = arith.constant 0 : index
        %get3A_139 = tpu.vector_load %arg7[%get3A, %get3A_138] {strides = array<i32>} : memref<512x32xf32, #tpu.memory_space<vmem>>, vector<16xf32>,
        tpu.vector_store_idx %arg9[%iota3A_3, %add3A_137], %get3A_139 : memref<32x516xf32, #tpu.memory_space<vmem>>[vector<16xi32>, vector<16xi32>], vector<16xf32>,
        %get3A_140 = arith.index_cast %add3A_134 : i32 to index
        %get3A_141 = arith.constant 16 : index
        %get3A_142 = tpu.vector_load %arg7[%get3A_140, %get3A_141] {strides = array<i32>} : memref<512x32xf32, #tpu.memory_space<vmem>>, vector<16xf32>,
        tpu.vector_store_idx %arg9[%add3A_7, %add3A_137], %get3A_142 : memref<32x516xf32, #tpu.memory_space<vmem>>[vector<16xi32>, vector<16xi32>], vector<16xf32>,
        %mul3A_143 = arith.constant 16 : i32
        %mul3A_144 = arith.muli %scan3A_130, %mul3A_143 : i32
        %add3A_145 = arith.constant 1 : i32
        %add3A_146 = arith.addi %mul3A_144, %add3A_145 : i32
        %broadcast_in_dim3A_147 = arith.constant 0 : i32
        %broadcast_in_dim3A_148 = vector.broadcast %broadcast_in_dim3A_147 : i32 to vector<16xi32>
        %add3A_149 = vector.broadcast %add3A_146 : i32 to vector<16xi32>
        %add3A_150 = arith.addi %broadcast_in_dim3A_148, %add3A_149 : vector<16xi32>
        %get3A_151 = arith.index_cast %add3A_146 : i32 to index
        %get3A_152 = arith.constant 0 : index
        %get3A_153 = tpu.vector_load %arg7[%get3A_151, %get3A_152] {strides = array<i32>} : memref<512x32xf32, #tpu.memory_space<vmem>>, vector<16xf32>,
        tpu.vector_store_idx %arg9[%iota3A_3, %add3A_150], %get3A_153 : memref<32x516xf32, #tpu.memory_space<vmem>>[vector<16xi32>, vector<16xi32>], vector<16xf32>,
        %get3A_154 = arith.index_cast %add3A_146 : i32 to index
        %get3A_155 = arith.constant 16 : index
        %get3A_156 = tpu.vector_load %arg7[%get3A_154, %get3A_155] {strides = array<i32>} : memref<512x32xf32, #tpu.memory_space<vmem>>, vector<16xf32>,
        tpu.vector_store_idx %arg9[%add3A_7, %add3A_150], %get3A_156 : memref<32x516xf32, #tpu.memory_space<vmem>>[vector<16xi32>, vector<16xi32>], vector<16xf32>,
        %mul3A_157 = arith.constant 16 : i32
        %mul3A_158 = arith.muli %scan3A_130, %mul3A_157 : i32
        %add3A_159 = arith.constant 2 : i32
        %add3A_160 = arith.addi %mul3A_158, %add3A_159 : i32
        %broadcast_in_dim3A_161 = arith.constant 0 : i32
        %broadcast_in_dim3A_162 = vector.broadcast %broadcast_in_dim3A_161 : i32 to vector<16xi32>
        %add3A_163 = vector.broadcast %add3A_160 : i32 to vector<16xi32>
        %add3A_164 = arith.addi %broadcast_in_dim3A_162, %add3A_163 : vector<16xi32>
        %get3A_165 = arith.index_cast %add3A_160 : i32 to index
        %get3A_166 = arith.constant 0 : index
        %get3A_167 = tpu.vector_load %arg7[%get3A_165, %get3A_166] {strides = array<i32>} : memref<512x32xf32, #tpu.memory_space<vmem>>, vector<16xf32>,
        tpu.vector_store_idx %arg9[%iota3A_3, %add3A_164], %get3A_167 : memref<32x516xf32, #tpu.memory_space<vmem>>[vector<16xi32>, vector<16xi32>], vector<16xf32>,
        %get3A_168 = arith.index_cast %add3A_160 : i32 to index
        %get3A_169 = arith.constant 16 : index
        %get3A_170 = tpu.vector_load %arg7[%get3A_168, %get3A_169] {strides = array<i32>} : memref<512x32xf32, #tpu.memory_space<vmem>>, vector<16xf32>,
        tpu.vector_store_idx %arg9[%add3A_7, %add3A_164], %get3A_170 : memref<32x516xf32, #tpu.memory_space<vmem>>[vector<16xi32>, vector<16xi32>], vector<16xf32>,
        %mul3A_171 = arith.constant 16 : i32
        %mul3A_172 = arith.muli %scan3A_130, %mul3A_171 : i32
        %add3A_173 = arith.constant 3 : i32
        %add3A_174 = arith.addi %mul3A_172, %add3A_173 : i32
        %broadcast_in_dim3A_175 = arith.constant 0 : i32
        %broadcast_in_dim3A_176 = vector.broadcast %broadcast_in_dim3A_175 : i32 to vector<16xi32>
        %add3A_177 = vector.broadcast %add3A_174 : i32 to vector<16xi32>
        %add3A_178 = arith.addi %broadcast_in_dim3A_176, %add3A_177 : vector<16xi32>
        %get3A_179 = arith.index_cast %add3A_174 : i32 to index
        %get3A_180 = arith.constant 0 : index
        %get3A_181 = tpu.vector_load %arg7[%get3A_179, %get3A_180] {strides = array<i32>} : memref<512x32xf32, #tpu.memory_space<vmem>>, vector<16xf32>,
        tpu.vector_store_idx %arg9[%iota3A_3, %add3A_178], %get3A_181 : memref<32x516xf32, #tpu.memory_space<vmem>>[vector<16xi32>, vector<16xi32>], vector<16xf32>,
        %get3A_182 = arith.index_cast %add3A_174 : i32 to index
        %get3A_183 = arith.constant 16 : index
        %get3A_184 = tpu.vector_load %arg7[%get3A_182, %get3A_183] {strides = array<i32>} : memref<512x32xf32, #tpu.memory_space<vmem>>, vector<16xf32>,
        tpu.vector_store_idx %arg9[%add3A_7, %add3A_178], %get3A_184 : memref<32x516xf32, #tpu.memory_space<vmem>>[vector<16xi32>, vector<16xi32>], vector<16xf32>,
        %mul3A_185 = arith.constant 16 : i32
        %mul3A_186 = arith.muli %scan3A_130, %mul3A_185 : i32
        %add3A_187 = arith.constant 4 : i32
        %add3A_188 = arith.addi %mul3A_186, %add3A_187 : i32
        %broadcast_in_dim3A_189 = arith.constant 0 : i32
        %broadcast_in_dim3A_190 = vector.broadcast %broadcast_in_dim3A_189 : i32 to vector<16xi32>
        %add3A_191 = vector.broadcast %add3A_188 : i32 to vector<16xi32>
        %add3A_192 = arith.addi %broadcast_in_dim3A_190, %add3A_191 : vector<16xi32>
        %get3A_193 = arith.index_cast %add3A_188 : i32 to index
        %get3A_194 = arith.constant 0 : index
        %get3A_195 = tpu.vector_load %arg7[%get3A_193, %get3A_194] {strides = array<i32>} : memref<512x32xf32, #tpu.memory_space<vmem>>, vector<16xf32>,
        tpu.vector_store_idx %arg9[%iota3A_3, %add3A_192], %get3A_195 : memref<32x516xf32, #tpu.memory_space<vmem>>[vector<16xi32>, vector<16xi32>], vector<16xf32>,
        %get3A_196 = arith.index_cast %add3A_188 : i32 to index
        %get3A_197 = arith.constant 16 : index
        %get3A_198 = tpu.vector_load %arg7[%get3A_196, %get3A_197] {strides = array<i32>} : memref<512x32xf32, #tpu.memory_space<vmem>>, vector<16xf32>,
        tpu.vector_store_idx %arg9[%add3A_7, %add3A_192], %get3A_198 : memref<32x516xf32, #tpu.memory_space<vmem>>[vector<16xi32>, vector<16xi32>], vector<16xf32>,
        %mul3A_199 = arith.constant 16 : i32
        %mul3A_200 = arith.muli %scan3A_130, %mul3A_199 : i32
        %add3A_201 = arith.constant 5 : i32
        %add3A_202 = arith.addi %mul3A_200, %add3A_201 : i32
        %broadcast_in_dim3A_203 = arith.constant 0 : i32
        %broadcast_in_dim3A_204 = vector.broadcast %broadcast_in_dim3A_203 : i32 to vector<16xi32>
        %add3A_205 = vector.broadcast %add3A_202 : i32 to vector<16xi32>
        %add3A_206 = arith.addi %broadcast_in_dim3A_204, %add3A_205 : vector<16xi32>
        %get3A_207 = arith.index_cast %add3A_202 : i32 to index
        %get3A_208 = arith.constant 0 : index
        %get3A_209 = tpu.vector_load %arg7[%get3A_207, %get3A_208] {strides = array<i32>} : memref<512x32xf32, #tpu.memory_space<vmem>>, vector<16xf32>,
        tpu.vector_store_idx %arg9[%iota3A_3, %add3A_206], %get3A_209 : memref<32x516xf32, #tpu.memory_space<vmem>>[vector<16xi32>, vector<16xi32>], vector<16xf32>,
        %get3A_210 = arith.index_cast %add3A_202 : i32 to index
        %get3A_211 = arith.constant 16 : index
        %get3A_212 = tpu.vector_load %arg7[%get3A_210, %get3A_211] {strides = array<i32>} : memref<512x32xf32, #tpu.memory_space<vmem>>, vector<16xf32>,
        tpu.vector_store_idx %arg9[%add3A_7, %add3A_206], %get3A_212 : memref<32x516xf32, #tpu.memory_space<vmem>>[vector<16xi32>, vector<16xi32>], vector<16xf32>,
        %mul3A_213 = arith.constant 16 : i32
        %mul3A_214 = arith.muli %scan3A_130, %mul3A_213 : i32
        %add3A_215 = arith.constant 6 : i32
        %add3A_216 = arith.addi %mul3A_214, %add3A_215 : i32
        %broadcast_in_dim3A_217 = arith.constant 0 : i32
        %broadcast_in_dim3A_218 = vector.broadcast %broadcast_in_dim3A_217 : i32 to vector<16xi32>
        %add3A_219 = vector.broadcast %add3A_216 : i32 to vector<16xi32>
        %add3A_220 = arith.addi %broadcast_in_dim3A_218, %add3A_219 : vector<16xi32>
        %get3A_221 = arith.index_cast %add3A_216 : i32 to index
        %get3A_222 = arith.constant 0 : index
        %get3A_223 = tpu.vector_load %arg7[%get3A_221, %get3A_222] {strides = array<i32>} : memref<512x32xf32, #tpu.memory_space<vmem>>, vector<16xf32>,
        tpu.vector_store_idx %arg9[%iota3A_3, %add3A_220], %get3A_223 : memref<32x516xf32, #tpu.memory_space<vmem>>[vector<16xi32>, vector<16xi32>], vector<16xf32>,
        %get3A_224 = arith.index_cast %add3A_216 : i32 to index
        %get3A_225 = arith.constant 16 : index
        %get3A_226 = tpu.vector_load %arg7[%get3A_224, %get3A_225] {strides = array<i32>} : memref<512x32xf32, #tpu.memory_space<vmem>>, vector<16xf32>,
        tpu.vector_store_idx %arg9[%add3A_7, %add3A_220], %get3A_226 : memref<32x516xf32, #tpu.memory_space<vmem>>[vector<16xi32>, vector<16xi32>], vector<16xf32>,
        %mul3A_227 = arith.constant 16 : i32
        %mul3A_228 = arith.muli %scan3A_130, %mul3A_227 : i32
        %add3A_229 = arith.constant 7 : i32
        %add3A_230 = arith.addi %mul3A_228, %add3A_229 : i32
        %broadcast_in_dim3A_231 = arith.constant 0 : i32
        %broadcast_in_dim3A_232 = vector.broadcast %broadcast_in_dim3A_231 : i32 to vector<16xi32>
        %add3A_233 = vector.broadcast %add3A_230 : i32 to vector<16xi32>
        %add3A_234 = arith.addi %broadcast_in_dim3A_232, %add3A_233 : vector<16xi32>
        %get3A_235 = arith.index_cast %add3A_230 : i32 to index
        %get3A_236 = arith.constant 0 : index
        %get3A_237 = tpu.vector_load %arg7[%get3A_235, %get3A_236] {strides = array<i32>} : memref<512x32xf32, #tpu.memory_space<vmem>>, vector<16xf32>,
        tpu.vector_store_idx %arg9[%iota3A_3, %add3A_234], %get3A_237 : memref<32x516xf32, #tpu.memory_space<vmem>>[vector<16xi32>, vector<16xi32>], vector<16xf32>,
        %get3A_238 = arith.index_cast %add3A_230 : i32 to index
        %get3A_239 = arith.constant 16 : index
        %get3A_240 = tpu.vector_load %arg7[%get3A_238, %get3A_239] {strides = array<i32>} : memref<512x32xf32, #tpu.memory_space<vmem>>, vector<16xf32>,
        tpu.vector_store_idx %arg9[%add3A_7, %add3A_234], %get3A_240 : memref<32x516xf32, #tpu.memory_space<vmem>>[vector<16xi32>, vector<16xi32>], vector<16xf32>,
        %mul3A_241 = arith.constant 16 : i32
        %mul3A_242 = arith.muli %scan3A_130, %mul3A_241 : i32
        %add3A_243 = arith.constant 8 : i32
        %add3A_244 = arith.addi %mul3A_242, %add3A_243 : i32
        %broadcast_in_dim3A_245 = arith.constant 0 : i32
        %broadcast_in_dim3A_246 = vector.broadcast %broadcast_in_dim3A_245 : i32 to vector<16xi32>
        %add3A_247 = vector.broadcast %add3A_244 : i32 to vector<16xi32>
        %add3A_248 = arith.addi %broadcast_in_dim3A_246, %add3A_247 : vector<16xi32>
        %get3A_249 = arith.index_cast %add3A_244 : i32 to index
        %get3A_250 = arith.constant 0 : index
        %get3A_251 = tpu.vector_load %arg7[%get3A_249, %get3A_250] {strides = array<i32>} : memref<512x32xf32, #tpu.memory_space<vmem>>, vector<16xf32>,
        tpu.vector_store_idx %arg9[%iota3A_3, %add3A_248], %get3A_251 : memref<32x516xf32, #tpu.memory_space<vmem>>[vector<16xi32>, vector<16xi32>], vector<16xf32>,
        %get3A_252 = arith.index_cast %add3A_244 : i32 to index
        %get3A_253 = arith.constant 16 : index
        %get3A_254 = tpu.vector_load %arg7[%get3A_252, %get3A_253] {strides = array<i32>} : memref<512x32xf32, #tpu.memory_space<vmem>>, vector<16xf32>,
        tpu.vector_store_idx %arg9[%add3A_7, %add3A_248], %get3A_254 : memref<32x516xf32, #tpu.memory_space<vmem>>[vector<16xi32>, vector<16xi32>], vector<16xf32>,
        %mul3A_255 = arith.constant 16 : i32
        %mul3A_256 = arith.muli %scan3A_130, %mul3A_255 : i32
        %add3A_257 = arith.constant 9 : i32
        %add3A_258 = arith.addi %mul3A_256, %add3A_257 : i32
        %broadcast_in_dim3A_259 = arith.constant 0 : i32
        %broadcast_in_dim3A_260 = vector.broadcast %broadcast_in_dim3A_259 : i32 to vector<16xi32>
        %add3A_261 = vector.broadcast %add3A_258 : i32 to vector<16xi32>
        %add3A_262 = arith.addi %broadcast_in_dim3A_260, %add3A_261 : vector<16xi32>
        %get3A_263 = arith.index_cast %add3A_258 : i32 to index
        %get3A_264 = arith.constant 0 : index
        %get3A_265 = tpu.vector_load %arg7[%get3A_263, %get3A_264] {strides = array<i32>} : memref<512x32xf32, #tpu.memory_space<vmem>>, vector<16xf32>,
        tpu.vector_store_idx %arg9[%iota3A_3, %add3A_262], %get3A_265 : memref<32x516xf32, #tpu.memory_space<vmem>>[vector<16xi32>, vector<16xi32>], vector<16xf32>,
        %get3A_266 = arith.index_cast %add3A_258 : i32 to index
        %get3A_267 = arith.constant 16 : index
        %get3A_268 = tpu.vector_load %arg7[%get3A_266, %get3A_267] {strides = array<i32>} : memref<512x32xf32, #tpu.memory_space<vmem>>, vector<16xf32>,
        tpu.vector_store_idx %arg9[%add3A_7, %add3A_262], %get3A_268 : memref<32x516xf32, #tpu.memory_space<vmem>>[vector<16xi32>, vector<16xi32>], vector<16xf32>,
        %mul3A_269 = arith.constant 16 : i32
        %mul3A_270 = arith.muli %scan3A_130, %mul3A_269 : i32
        %add3A_271 = arith.constant 10 : i32
        %add3A_272 = arith.addi %mul3A_270, %add3A_271 : i32
        %broadcast_in_dim3A_273 = arith.constant 0 : i32
        %broadcast_in_dim3A_274 = vector.broadcast %broadcast_in_dim3A_273 : i32 to vector<16xi32>
        %add3A_275 = vector.broadcast %add3A_272 : i32 to vector<16xi32>
        %add3A_276 = arith.addi %broadcast_in_dim3A_274, %add3A_275 : vector<16xi32>
        %get3A_277 = arith.index_cast %add3A_272 : i32 to index
        %get3A_278 = arith.constant 0 : index
        %get3A_279 = tpu.vector_load %arg7[%get3A_277, %get3A_278] {strides = array<i32>} : memref<512x32xf32, #tpu.memory_space<vmem>>, vector<16xf32>,
        tpu.vector_store_idx %arg9[%iota3A_3, %add3A_276], %get3A_279 : memref<32x516xf32, #tpu.memory_space<vmem>>[vector<16xi32>, vector<16xi32>], vector<16xf32>,
        %get3A_280 = arith.index_cast %add3A_272 : i32 to index
        %get3A_281 = arith.constant 16 : index
        %get3A_282 = tpu.vector_load %arg7[%get3A_280, %get3A_281] {strides = array<i32>} : memref<512x32xf32, #tpu.memory_space<vmem>>, vector<16xf32>,
        tpu.vector_store_idx %arg9[%add3A_7, %add3A_276], %get3A_282 : memref<32x516xf32, #tpu.memory_space<vmem>>[vector<16xi32>, vector<16xi32>], vector<16xf32>,
        %mul3A_283 = arith.constant 16 : i32
        %mul3A_284 = arith.muli %scan3A_130, %mul3A_283 : i32
        %add3A_285 = arith.constant 11 : i32
        %add3A_286 = arith.addi %mul3A_284, %add3A_285 : i32
        %broadcast_in_dim3A_287 = arith.constant 0 : i32
        %broadcast_in_dim3A_288 = vector.broadcast %broadcast_in_dim3A_287 : i32 to vector<16xi32>
        %add3A_289 = vector.broadcast %add3A_286 : i32 to vector<16xi32>
        %add3A_290 = arith.addi %broadcast_in_dim3A_288, %add3A_289 : vector<16xi32>
        %get3A_291 = arith.index_cast %add3A_286 : i32 to index
        %get3A_292 = arith.constant 0 : index
        %get3A_293 = tpu.vector_load %arg7[%get3A_291, %get3A_292] {strides = array<i32>} : memref<512x32xf32, #tpu.memory_space<vmem>>, vector<16xf32>,
        tpu.vector_store_idx %arg9[%iota3A_3, %add3A_290], %get3A_293 : memref<32x516xf32, #tpu.memory_space<vmem>>[vector<16xi32>, vector<16xi32>], vector<16xf32>,
        %get3A_294 = arith.index_cast %add3A_286 : i32 to index
        %get3A_295 = arith.constant 16 : index
        %get3A_296 = tpu.vector_load %arg7[%get3A_294, %get3A_295] {strides = array<i32>} : memref<512x32xf32, #tpu.memory_space<vmem>>, vector<16xf32>,
        tpu.vector_store_idx %arg9[%add3A_7, %add3A_290], %get3A_296 : memref<32x516xf32, #tpu.memory_space<vmem>>[vector<16xi32>, vector<16xi32>], vector<16xf32>,
        %mul3A_297 = arith.constant 16 : i32
        %mul3A_298 = arith.muli %scan3A_130, %mul3A_297 : i32
        %add3A_299 = arith.constant 12 : i32
        %add3A_300 = arith.addi %mul3A_298, %add3A_299 : i32
        %broadcast_in_dim3A_301 = arith.constant 0 : i32
        %broadcast_in_dim3A_302 = vector.broadcast %broadcast_in_dim3A_301 : i32 to vector<16xi32>
        %add3A_303 = vector.broadcast %add3A_300 : i32 to vector<16xi32>
        %add3A_304 = arith.addi %broadcast_in_dim3A_302, %add3A_303 : vector<16xi32>
        %get3A_305 = arith.index_cast %add3A_300 : i32 to index
        %get3A_306 = arith.constant 0 : index
        %get3A_307 = tpu.vector_load %arg7[%get3A_305, %get3A_306] {strides = array<i32>} : memref<512x32xf32, #tpu.memory_space<vmem>>, vector<16xf32>,
        tpu.vector_store_idx %arg9[%iota3A_3, %add3A_304], %get3A_307 : memref<32x516xf32, #tpu.memory_space<vmem>>[vector<16xi32>, vector<16xi32>], vector<16xf32>,
        %get3A_308 = arith.index_cast %add3A_300 : i32 to index
        %get3A_309 = arith.constant 16 : index
        %get3A_310 = tpu.vector_load %arg7[%get3A_308, %get3A_309] {strides = array<i32>} : memref<512x32xf32, #tpu.memory_space<vmem>>, vector<16xf32>,
        tpu.vector_store_idx %arg9[%add3A_7, %add3A_304], %get3A_310 : memref<32x516xf32, #tpu.memory_space<vmem>>[vector<16xi32>, vector<16xi32>], vector<16xf32>,
        %mul3A_311 = arith.constant 16 : i32
        %mul3A_312 = arith.muli %scan3A_130, %mul3A_311 : i32
        %add3A_313 = arith.constant 13 : i32
        %add3A_314 = arith.addi %mul3A_312, %add3A_313 : i32
        %broadcast_in_dim3A_315 = arith.constant 0 : i32
        %broadcast_in_dim3A_316 = vector.broadcast %broadcast_in_dim3A_315 : i32 to vector<16xi32>
        %add3A_317 = vector.broadcast %add3A_314 : i32 to vector<16xi32>
        %add3A_318 = arith.addi %broadcast_in_dim3A_316, %add3A_317 : vector<16xi32>
        %get3A_319 = arith.index_cast %add3A_314 : i32 to index
        %get3A_320 = arith.constant 0 : index
        %get3A_321 = tpu.vector_load %arg7[%get3A_319, %get3A_320] {strides = array<i32>} : memref<512x32xf32, #tpu.memory_space<vmem>>, vector<16xf32>,
        tpu.vector_store_idx %arg9[%iota3A_3, %add3A_318], %get3A_321 : memref<32x516xf32, #tpu.memory_space<vmem>>[vector<16xi32>, vector<16xi32>], vector<16xf32>,
        %get3A_322 = arith.index_cast %add3A_314 : i32 to index
        %get3A_323 = arith.constant 16 : index
        %get3A_324 = tpu.vector_load %arg7[%get3A_322, %get3A_323] {strides = array<i32>} : memref<512x32xf32, #tpu.memory_space<vmem>>, vector<16xf32>,
        tpu.vector_store_idx %arg9[%add3A_7, %add3A_318], %get3A_324 : memref<32x516xf32, #tpu.memory_space<vmem>>[vector<16xi32>, vector<16xi32>], vector<16xf32>,
        %mul3A_325 = arith.constant 16 : i32
        %mul3A_326 = arith.muli %scan3A_130, %mul3A_325 : i32
        %add3A_327 = arith.constant 14 : i32
        %add3A_328 = arith.addi %mul3A_326, %add3A_327 : i32
        %broadcast_in_dim3A_329 = arith.constant 0 : i32
        %broadcast_in_dim3A_330 = vector.broadcast %broadcast_in_dim3A_329 : i32 to vector<16xi32>
        %add3A_331 = vector.broadcast %add3A_328 : i32 to vector<16xi32>
        %add3A_332 = arith.addi %broadcast_in_dim3A_330, %add3A_331 : vector<16xi32>
        %get3A_333 = arith.index_cast %add3A_328 : i32 to index
        %get3A_334 = arith.constant 0 : index
        %get3A_335 = tpu.vector_load %arg7[%get3A_333, %get3A_334] {strides = array<i32>} : memref<512x32xf32, #tpu.memory_space<vmem>>, vector<16xf32>,
        tpu.vector_store_idx %arg9[%iota3A_3, %add3A_332], %get3A_335 : memref<32x516xf32, #tpu.memory_space<vmem>>[vector<16xi32>, vector<16xi32>], vector<16xf32>,
        %get3A_336 = arith.index_cast %add3A_328 : i32 to index
        %get3A_337 = arith.constant 16 : index
        %get3A_338 = tpu.vector_load %arg7[%get3A_336, %get3A_337] {strides = array<i32>} : memref<512x32xf32, #tpu.memory_space<vmem>>, vector<16xf32>,
        tpu.vector_store_idx %arg9[%add3A_7, %add3A_332], %get3A_338 : memref<32x516xf32, #tpu.memory_space<vmem>>[vector<16xi32>, vector<16xi32>], vector<16xf32>,
        %mul3A_339 = arith.constant 16 : i32
        %mul3A_340 = arith.muli %scan3A_130, %mul3A_339 : i32
        %add3A_341 = arith.constant 15 : i32
        %add3A_342 = arith.addi %mul3A_340, %add3A_341 : i32
        %broadcast_in_dim3A_343 = arith.constant 0 : i32
        %broadcast_in_dim3A_344 = vector.broadcast %broadcast_in_dim3A_343 : i32 to vector<16xi32>
        %add3A_345 = vector.broadcast %add3A_342 : i32 to vector<16xi32>
        %add3A_346 = arith.addi %broadcast_in_dim3A_344, %add3A_345 : vector<16xi32>
        %get3A_347 = arith.index_cast %add3A_342 : i32 to index
        %get3A_348 = arith.constant 0 : index
        %get3A_349 = tpu.vector_load %arg7[%get3A_347, %get3A_348] {strides = array<i32>} : memref<512x32xf32, #tpu.memory_space<vmem>>, vector<16xf32>,
        tpu.vector_store_idx %arg9[%iota3A_3, %add3A_346], %get3A_349 : memref<32x516xf32, #tpu.memory_space<vmem>>[vector<16xi32>, vector<16xi32>], vector<16xf32>,
        %get3A_350 = arith.index_cast %add3A_342 : i32 to index
        %get3A_351 = arith.constant 16 : index
        %get3A_352 = tpu.vector_load %arg7[%get3A_350, %get3A_351] {strides = array<i32>} : memref<512x32xf32, #tpu.memory_space<vmem>>, vector<16xf32>,
        tpu.vector_store_idx %arg9[%add3A_7, %add3A_346], %get3A_352 : memref<32x516xf32, #tpu.memory_space<vmem>>[vector<16xi32>, vector<16xi32>], vector<16xf32>,
      }
      %scan3A_110 = arith.constant 32 : i32
      %dma_start3A_111 = arith.constant 0 : i32
      %dma_start3A_112 = arith.constant 0 : i32
      %dma_start3A_113 = tpu.memref_slice %arg9[%dma_start3A_111, %dma_start3A_112] : memref<32x516xf32, #tpu.memory_space<vmem>> -> memref<32x512xf32, #tpu.memory_space<vmem>>
      %dma_start3A_114 = arith.constant 0 : i32
      %dma_start3A_115 = tpu.memref_slice %arg4[%add3A_92, %dma_start3A_114, %mul3A_2] : memref<50x32x16384xf32, #tpu.memory_space<hbm>> -> memref<1x32x512xf32, #tpu.memory_space<hbm>>
      %dma_start3A_116 = tpu.memref_squeeze %dma_start3A_115 : memref<1x32x512xf32, #tpu.memory_space<hbm>> -> memref<32x512xf32, #tpu.memory_space<hbm>>
      %dma_start3A_117 = arith.constant 0 : i32
      %dma_start3A_118 = tpu.memref_slice %arg4[%add3A_92, %dma_start3A_117, %mul3A_2] : memref<50x32x16384xf32, #tpu.memory_space<hbm>> -> memref<1x32x512xf32, #tpu.memory_space<hbm>>
      %dma_start3A_119 = tpu.memref_squeeze %dma_start3A_118 : memref<1x32x512xf32, #tpu.memory_space<hbm>> -> memref<32x512xf32, #tpu.memory_space<hbm>>
      %dma_start3A_120 = arith.constant 0 : i32
      %dma_start3A_121 = arith.constant 0 : i32
      %dma_start3A_122 = tpu.memref_slice %arg9[%dma_start3A_120, %dma_start3A_121] : memref<32x516xf32, #tpu.memory_space<vmem>> -> memref<32x512xf32, #tpu.memory_space<vmem>>
      tpu.enqueue_dma source(%dma_start3A_122 : memref<32x512xf32, #tpu.memory_space<vmem>>) target(%dma_start3A_119 : memref<32x512xf32, #tpu.memory_space<hbm>>) target_semaphore(%arg13 : memref<!tpu.dma_semaphore, #tpu.memory_space<semaphore_mem>>)
      %add3A_123 = arith.constant 2 : i32
      %add3A_124 = arith.addi %add3A_92, %add3A_123 : i32
      %lt3A_125 = arith.constant 50 : i32
      %lt3A_126 = arith.cmpi slt, %add3A_124, %lt3A_125 : i32
      %convert_element_type3A_127 = arith.extui %lt3A_126 : i1 to i32
      %cond3A_128 = arith.constant 0 : i32
      %cond3A_129 = arith.cmpi ne, %convert_element_type3A_127, %cond3A_128 : i32
      scf.if %cond3A_129 {
        %add3A_130 = arith.constant 2 : i32
        %add3A_131 = arith.addi %add3A_92, %add3A_130 : i32
        %dma_start3A_132 = arith.constant 0 : i32
        %dma_start3A_133 = tpu.memref_slice %arg5[%add3A_131, %dma_start3A_132] : memref<50x512xi32, #tpu.memory_space<vmem>> -> memref<1x512xi32, #tpu.memory_space<vmem>>
        %dma_start3A_134 = tpu.memref_squeeze %dma_start3A_133 : memref<1x512xi32, #tpu.memory_space<vmem>> -> memref<512xi32, #tpu.memory_space<vmem>>
        %dma_start3A_135 = arith.constant 0 : i32
        %dma_start3A_136 = arith.constant 0 : i32
        %dma_start3A_137 = tpu.memref_slice %arg3[%dma_start3A_135, %dma_start3A_136] : memref<1000000x32xf32, #tpu.memory_space<hbm>> -> memref<1000000x32xf32, #tpu.memory_space<hbm>>
        tpu.enqueue_indirect_dma source(%dma_start3A_137 : memref<1000000x32xf32, #tpu.memory_space<hbm>>) target(%arg7 : memref<512x32xf32, #tpu.memory_space<vmem>>) offsets(%dma_start3A_134 : memref<512xi32, #tpu.memory_space<vmem>>) semaphore(%arg11 : memref<!tpu.dma_semaphore, #tpu.memory_space<semaphore_mem>>)
      } else {
      }
    }
    %scan3A_25 = arith.constant 25 : i32
    %dma_wait3A = arith.constant 0 : i32
    %dma_wait3A_26 = arith.constant 0 : i32
    %dma_wait3A_27 = arith.constant 0 : i32
    %dma_wait3A_28 = tpu.memref_slice %arg8[%dma_wait3A_26, %dma_wait3A_27] : memref<32x516xf32, #tpu.memory_space<vmem>> -> memref<32x512xf32, #tpu.memory_space<vmem>>
    %dma_wait3A_29 = arith.constant 0 : i32
    %dma_wait3A_30 = tpu.memref_slice %arg4[%dma_wait3A, %dma_wait3A_29, %mul3A_2] : memref<50x32x16384xf32, #tpu.memory_space<hbm>> -> memref<1x32x512xf32, #tpu.memory_space<hbm>>
    %dma_wait3A_31 = tpu.memref_squeeze %dma_wait3A_30 : memref<1x32x512xf32, #tpu.memory_space<hbm>> -> memref<32x512xf32, #tpu.memory_space<hbm>>
    %dma_wait3A_32 = arith.constant 0 : i32
    %dma_wait3A_33 = tpu.memref_slice %arg4[%dma_wait3A, %dma_wait3A_32, %mul3A_2] : memref<50x32x16384xf32, #tpu.memory_space<hbm>> -> memref<1x32x512xf32, #tpu.memory_space<hbm>>
    %dma_wait3A_34 = tpu.memref_squeeze %dma_wait3A_33 : memref<1x32x512xf32, #tpu.memory_space<hbm>> -> memref<32x512xf32, #tpu.memory_space<hbm>>
    %dma_wait3A_35 = arith.constant 0 : i32
    %dma_wait3A_36 = arith.constant 0 : i32
    %dma_wait3A_37 = tpu.memref_slice %arg8[%dma_wait3A_35, %dma_wait3A_36] : memref<32x516xf32, #tpu.memory_space<vmem>> -> memref<32x512xf32, #tpu.memory_space<vmem>>
    tpu.wait_dma2 semaphore(%arg12 : memref<!tpu.dma_semaphore, #tpu.memory_space<semaphore_mem>>) src(%dma_wait3A_37 : memref<32x512xf32, #tpu.memory_space<vmem>>) dst(%dma_wait3A_34 : memref<32x512xf32, #tpu.memory_space<hbm>>)
    %dma_wait3A_38 = arith.constant 0 : i32
    %dma_wait3A_39 = arith.constant 0 : i32
    %dma_wait3A_40 = arith.constant 0 : i32
    %dma_wait3A_41 = tpu.memref_slice %arg9[%dma_wait3A_39, %dma_wait3A_40] : memref<32x516xf32, #tpu.memory_space<vmem>> -> memref<32x512xf32, #tpu.memory_space<vmem>>
    %dma_wait3A_42 = arith.constant 0 : i32
    %dma_wait3A_43 = tpu.memref_slice %arg4[%dma_wait3A_38, %dma_wait3A_42, %mul3A_2] : memref<50x32x16384xf32, #tpu.memory_space<hbm>> -> memref<1x32x512xf32, #tpu.memory_space<hbm>>
    %dma_wait3A_44 = tpu.memref_squeeze %dma_wait3A_43 : memref<1x32x512xf32, #tpu.memory_space<hbm>> -> memref<32x512xf32, #tpu.memory_space<hbm>>
    %dma_wait3A_45 = arith.constant 0 : i32
    %dma_wait3A_46 = tpu.memref_slice %arg4[%dma_wait3A_38, %dma_wait3A_45, %mul3A_2] : memref<50x32x16384xf32, #tpu.memory_space<hbm>> -> memref<1x32x512xf32, #tpu.memory_space<hbm>>
    %dma_wait3A_47 = tpu.memref_squeeze %dma_wait3A_46 : memref<1x32x512xf32, #tpu.memory_space<hbm>> -> memref<32x512xf32, #tpu.memory_space<hbm>>
    %dma_wait3A_48 = arith.constant 0 : i32
    %dma_wait3A_49 = arith.constant 0 : i32
    %dma_wait3A_50 = tpu.memref_slice %arg9[%dma_wait3A_48, %dma_wait3A_49] : memref<32x516xf32, #tpu.memory_space<vmem>> -> memref<32x512xf32, #tpu.memory_space<vmem>>
    tpu.wait_dma2 semaphore(%arg13 : memref<!tpu.dma_semaphore, #tpu.memory_space<semaphore_mem>>) src(%dma_wait3A_50 : memref<32x512xf32, #tpu.memory_space<vmem>>) dst(%dma_wait3A_47 : memref<32x512xf32, #tpu.memory_space<hbm>>)
    return
  }
}

</mosaic_0001>

<sc_bundles>
// kernel: kernel.3.cloned.1.call-start
scs
__scs_entry_jumppad:
0x0: {  	(pc) =	sbr.rel $0x88, $3  }
0x1: {  	(tag) =	ssettag $0x0;
	lr =	simm.s32 $0x1  }
0x2: {  	[smem:$0x3F9F] =	sst lr;
	_ =	strace $0xD0000000  }
0x3: {  	_ = 	snop  }
0x4: {  	_ = 	snop  }
0x5: {  	_ = 	snop  }
0x6: {  	_ = 	snop  }
0x7: {  	_ = 	snop  }
__scs_overlays_trampoline_lowered:
0x8: {  	[smem:$0x3FAE] =	sst s0  }
0x9: {  	[smem:$0x3FAF] =	sst s1  }
0xa: {  	[smem:$0x3FB0] =	sst s2  }
0xb: {  	[smem:$0x3FB1] =	sst s3  }
0xc: {  	[smem:$0x3FB2] =	sst s4  }
0xd: {  	[smem:$0x3FB3] =	sst s5  }
0xe: {  	[smem:$0x3FB4] =	sst s6  }
0xf: {  	[smem:$0x3FB5] =	sst s7  }
0x10: {  	[smem:$0x3FB6] =	sst s8  }
0x11: {  	[smem:$0x3FB7] =	sst s9;
	s0 =	simm.s32 @!p0 $0x0  }
0x12: {  	s1 =	sld [smem:$0x3F9D];
	s0 =	simm.s32 @p0 $0x1  }
0x13: {  	[smem:$0x3FB8] =	sst s0;
	s0 =	simm.s32 @!p1 $0x0  }
0x14: {  	s2 =	sld [smem:$0x3F9C];
	s0 =	simm.s32 @p1 $0x1  }
0x15: {  	[smem:$0x3FB9] =	sst s0;
	s0 =	simm.s32 @!p2 $0x0  }
0x16: {  	s3 =	sld [smem:$0x3FDB];
	s0 =	simm.s32 @p2 $0x1  }
0x17: {  	s4 =	simm.s32 $0x1BF5;
	[smem:$0x3FBB] =	sst s0  }
0x18: {  	s0 =	sld [smem:$0x3F9E];
	_ =	swait.ge [sflag:s4], $0x0  }
0x19: {  	s7 =	sld [smem:$0x3F9F]  }
0x1a: {  	s8 =	sadd.s32 $0xFFFFE003, lr  }
0x1b: {  	s9 =	sadd.s32 $0xFFFFFEF7, lr;
	s5 =	simm.s32 $0xFFFFFFFF;
	p2 =	slt.u32 s8, $0xFFFFF086  }
0x1c: {  	p1 =	slt.u32 s9, $0xF7A;
	s5 =	simm.s32 @!p2 $0x0  }
0x1d: {  	s5 =	simm.s32 @p1 $0x1;
	p0 =	seq.s32 s7, s2  }
0x1e: {  	s7 =	smul.u32 @!p0 $0xF7A, s2;
	p2 =	seq.s32 @!p0 s5, $0x0  }
0x1f: {  	s9 =	smul.u32 $0xF7A, s1;
	s8 =	simm.s32 @!p0 $0x1BF5;
	p2 =	por !p2, p0  }
0x20: {  	[sflag:s8] =	ssyncset.s32 @!p0 $0xFFFFF086;
	s6 =	sadd.s32 @!p0 s3, s7;
	s7 =	simm.s32 @!p0 $0x108  }
0x21: {  	s3 =	sadd.s32 s3, s9;
	s6 =	sadd.s32 @!p0 $0x88, s6;
	s7 =	simm.s32 @p2 $0x1082  }
0x22: {  	[simem:s7], [sflag:s8] =	dma.local @!p0 [hbm:s6], $0xF7A  }
0x23: {  	s9 =	sor.u32 $0xD0000000, s2;
	s6 =	simm.s32 $0x108;
	_ =	swait.ge @!p0 [sflag:s8], $0x0  }
0x24: {  	s3 =	sadd.s32 $0x88, s3;
	s6 =	simm.s32 @!p1 $0x1082;
	[sflag:s4] =	ssyncset.s32 $0xFFFFF086  }
0x25: {  	[simem:s6], [sflag:s4] =	dma.local [hbm:s3], $0xF7A  }
0x26: {  	[smem:$0x3F9F] =	sst s1;
	(tag) =	ssettag s2;
	_ =	strace s9  }
0x27: {  	s1 =	sld [smem:$0x3FAF]  }
0x28: {  	s2 =	sld [smem:$0x3FB0]  }
0x29: {  	s4 =	sld [smem:$0x3FB2]  }
0x2a: {  	p0 =	seq.s32 s5, $0x0;
	s5 =	sld [smem:$0x3FB3]  }
0x2b: {  	s6 =	sld [smem:$0x3FB4]  }
0x2c: {  	s7 =	sld [smem:$0x3FB5]  }
0x2d: {  	s3 =	simm.s32 $0x108;
	s8 =	sld [smem:$0x3FB6]  }
0x2e: {  	s3 =	simm.s32 @!p0 $0x1082;
	s9 =	sld [smem:$0x3FB7]  }
0x2f: {  	lr =	sadd.s32 s0, s3;
	s0 =	sld [smem:$0x3FAE]  }
0x30: {  	s3 =	sld [smem:$0x3FB1]  }
0x31: {  	[smem:$0x3FBA] =	sst s10  }
0x32: {  	s10 =	sld [smem:$0x3FB8];
	_ =	sdelay $0x3  }
0x33: {  	p0 =	seq.s32 s10, $0x1;
	s10 =	sld [smem:$0x3FBA];
	_ =	sdelay $0x3  }
0x34: {  	[smem:$0x3FBA] =	sst s10  }
0x35: {  	s10 =	sld [smem:$0x3FB9];
	_ =	sdelay $0x3  }
0x36: {  	p1 =	seq.s32 s10, $0x1;
	s10 =	sld [smem:$0x3FBA];
	_ =	sdelay $0x3  }
0x37: {  	[smem:$0x3FBA] =	sst s10  }
0x38: {  	s10 =	sld [smem:$0x3FBB]  }
0x39: {  	_ = 	snop;
	(pc) =	sbr.ind lr, $3  }
0x3a: {  	_ = 	snop  }
0x3b: {  	_ = 	snop  }
0x3c: {  	p2 =	seq.s32 s10, $0x1;
	s10 =	sld [smem:$0x3FBA]  }
0x3d: {  	_ =	shalt  }
0x3e: {  	_ =	shalt  }
0x3f: {  	_ =	shalt  }
0x40: {  	_ =	shalt  }
0x41: {  	_ =	shalt  }
0x42: {  	_ =	shalt  }
0x43: {  	_ =	shalt  }
0x44: {  	_ =	shalt  }
0x45: {  	_ =	shalt  }
0x46: {  	_ =	shalt  }
0x47: {  	_ =	shalt  }
0x48: {  	_ =	shalt  }
0x49: {  	_ =	shalt  }
0x4a: {  	_ =	shalt  }
0x4b: {  	_ =	shalt  }
0x4c: {  	_ =	shalt  }
0x4d: {  	_ =	shalt  }
0x4e: {  	_ =	shalt  }
0x4f: {  	_ =	shalt  }
0x50: {  	_ =	shalt  }
0x51: {  	_ =	shalt  }
0x52: {  	_ =	shalt  }
0x53: {  	_ =	shalt  }
0x54: {  	_ =	shalt  }
0x55: {  	_ =	shalt  }
0x56: {  	_ =	shalt  }
0x57: {  	_ =	shalt  }
0x58: {  	_ =	shalt  }
0x59: {  	_ =	shalt  }
0x5a: {  	_ =	shalt  }
0x5b: {  	_ =	shalt  }
0x5c: {  	_ =	shalt  }
0x5d: {  	_ =	shalt  }
0x5e: {  	_ =	shalt  }
0x5f: {  	_ =	shalt  }
0x60: {  	_ =	shalt  }
0x61: {  	_ =	shalt  }
0x62: {  	_ =	shalt  }
0x63: {  	_ =	shalt  }
0x64: {  	_ =	shalt  }
0x65: {  	_ =	shalt  }
0x66: {  	_ =	shalt  }
0x67: {  	_ =	shalt  }
0x68: {  	_ =	shalt  }
0x69: {  	_ =	shalt  }
0x6a: {  	_ =	shalt  }
0x6b: {  	_ =	shalt  }
0x6c: {  	_ =	shalt  }
0x6d: {  	_ =	shalt  }
0x6e: {  	_ =	shalt  }
0x6f: {  	_ =	shalt  }
0x70: {  	_ =	shalt  }
0x71: {  	_ =	shalt  }
0x72: {  	_ =	shalt  }
0x73: {  	_ =	shalt  }
0x74: {  	_ =	shalt  }
0x75: {  	_ =	shalt  }
0x76: {  	_ =	shalt  }
0x77: {  	_ =	shalt  }
0x78: {  	_ =	shalt  }
0x79: {  	_ =	shalt  }
0x7a: {  	_ =	shalt  }
0x7b: {  	_ =	shalt  }
0x7c: {  	_ =	shalt  }
0x7d: {  	_ =	shalt  }
0x7e: {  	_ =	shalt  }
0x7f: {  	_ =	shalt  }
0x80: {  	_ =	shalt  }
0x81: {  	_ =	shalt  }
0x82: {  	_ =	shalt  }
0x83: {  	_ =	shalt  }
0x84: {  	_ =	shalt  }
0x85: {  	_ =	shalt  }
0x86: {  	_ =	shalt  }
0x87: {  	_ =	shalt  }
.Lfunc_end0:
.L_simem_size_0:
called_computation_lowered:
.L_overlay_start_0:
0x88: {  	s2 =	sld [smem:$0x3FD9]  }
0x89: {  	s3 =	sld [smem:$0x3FFE];
	_ =	sdelay $0x1  }
0x8a: {  	s1 =	srdreg.scid  }
0x8b: {  	s0 =	sand.u32 $0x1, s1  }
0x8c: {  	s17 =	sshll.u32 s0, $0xA;
	s2 =	sadd.s32 s3, s2  }
0x8d: {  	s2 =	sadd.s32 s2, s17  }
0x8e: {  	[smem:$0x3FC6] =	sst s2  }
0x8f: {  	_ = 	snop  }
0x90: {  	s2 =	sld [smem:$0x3FD0];
	(tm) =	ssettm $0x1  }
0x91: {  	s18 =	sld [smem:$0x3FFB];
	_ =	sdelay $0x3  }
0x92: {  	_ =	strace s18  }
0x93: {  	s3 =	sld [smem:$0x3FFC];
	_ =	sdelay $0x3  }
0x94: {  	_ =	strace s3  }
0x95: {  	s3 =	sld [smem:$0x3FFD];
	_ =	sdelay $0x3  }
0x96: {  	_ =	strace s3  }
0x97: {  	_ =	strace $0x8FFFFFFF  }
0x98: {  	s19 =	sld [smem:$0x3FDB];
	_ =	sdelay $0x1  }
0x99: {  	s4 =	simm.s32 $_scs_section_size  }
0x9a: {  	s5 =	simm.s32 $_size__tile_overlayer_lowered;
	s6 =	simm.s32 $_tile_overlayer_lowered  }
0x9b: {  	s22 =	simm.s32 $0x1BFF;
	s21 =	sshll.u32 s6, $0x1;
	s3 =	sadd.s32 s4, s19  }
0x9c: {  	s7 =	simm.s32 $0x0;
	s20 =	sshll.u32 s5, $0x1;
	s5 =	sadd.s32 s21, s3  }
0x9d: {  	[timem:s7], [sflag:s22] =	dma.local [hbm:s5], s20  }
0x9e: {  	_ =	swait.ge [sflag:s22], s20  }
0x9f: {  	s4 =	ssub.s32 $0x0, s20;
	[sflag:s22] =	ssyncset.done $0x0  }
0xa0: {  	[sflag:s22] =	ssyncadd.s32 s4;
	_ =	sdelay $0x1  }
0xa1: {  	s23 =	simm.s32 $0x1B8B  }
0xa2: {  	_ =	swait.ge [sflag:s23], $0x1  }
0xa3: {  	[sflag:s23] =	ssyncset.done $0x0  }
0xa4: {  	s25 =	simm.s32 $0x1B8E;
	s24 =	sld [smem:$0x3FFE];
	[sflag:s23] =	ssyncadd.s32 $0xFFFFFFFF  }
0xa5: {  	s26 =	simm.s32 $execute0_lowered;
	[smem:$0x3FD2] =	sst s25  }
0xa6: {  	s5 =	sshll.u32 s26, $0x1;
	_ =	strace $0x80000046;
	[dreg:$0x1] =	wrdreg $0xFFFFFFFF  }
0xa7: {  	s28 =	simm.s32 $_size_execute0_lowered;
	s3 =	sadd.s32 s3, s5;
	[dreg:$0x0] =	wrdreg $0x0  }
0xa8: {  	s5 =	sshll.u32 s28, $0x1;
	[dreg:$0x2] =	wrdreg s3  }
0xa9: {  	[dreg:$0x3] =	wrdreg s5  }
0xaa: {  	[dreg:$0x4] =	wrdreg $0xC0  }
0xab: {  	_ =	task [dreg:s7], $0x5FFFF  }
0xac: {  	[dreg:$0x1] =	wrdreg $0xFFFFFFFF  }
0xad: {  	[dreg:$0x0] =	wrdreg $0x60  }
0xae: {  	[dreg:$0x2] =	wrdreg s2  }
0xaf: {  	[dreg:$0x3] =	wrdreg s24  }
0xb0: {  	[dreg:$0x4] =	wrdreg $0x9  }
0xb1: {  	_ =	task.clear_ibuf [dreg:s7], $0x5FFFF;
	_ =	strace $0x90000046  }
0xb2: {  	s29 =	simm.s32 $0x9;
	_ =	strace $0x80000048  }
0xb3: {  	_ =	swait.ge [sflag:s29], $0x1  }
0xb4: {  	[sflag:s29] =	ssyncadd.s32 $0xFFFFFFFF  }
0xb5: {  	_ =	strace $0x90000048  }
0xb6: {  	_ =	sfence  }
0xb7: {  	s30 =	sld [smem:$0x0];
	_ =	sdelay $0x2  }
0xb8: {  	s31 =	sshll.u32 s1, $0xD;
	s1 =	sshrl.u32 s1, $0x2  }
0xb9: {  	s3 =	sand.u32 $0x4000, s31;
	s1 =	sadd.s32 s1, s30  }
0xba: {  	s0 =	sor.u32 s3, s0;
	s1 =	sshll.u32 s1, $0x11  }
0xbb: {  	s0 =	sor.u32 s1, s0  }
0xbc: {  	s0 =	sadd.s32 $0x8F2B, s0  }
0xbd: {  	[sflag:s0] =	ssyncadd.remote.s32 $0x1  }
0xbe: {  	_ =	sfence.sel $0xFFFF  }
0xbf: {  	[dreg:$0x0] =	wrdreg $0xFFFFFFFF;
	(pc) =	sbr.abs _section_cstart, $3  }
0xc0: {  	[dreg:$0x1] =	wrdreg $0xFFFFFFFF  }
0xc1: {  	_ =	task.clear_ibuf [dreg:s7], $0x2FFFF;
	_ =	strace $0x9FFFFFFF  }
0xc2: {  	(tm) =	ssettm $0x7FFFFFFF  }
0xc3: {  	_ =	shalt  }
tec
execute0_lowered:
.L_overlay_start_1:
0x0: {  	(tag) =	ssettag $0x1  }
0x1: {  	s6 =	rddreg [dreg:$0x0]  }
0x2: {  	s7 =	rddreg [dreg:$0x1]  }
0x3: {  	s0 =	rddreg [dreg:$0x2];
	s2 =	simm.s32 $0x0  }
0x4: {  	s3 =	srdreg.scid;
	s1 =	stileid.u32;
	s10 =	simm.s32 $0x4000  }
0x5: {  	s11 =	simm.s32 $0x5;
	s12 =	simm.s32 $0x6400;
	s13 =	simm.s32 $0xA400  }
0x6: {  	v0 =	vlaneseq.u32;
	s14 =	simm.s32 $0x1;
	s15 =	simm.s32 $0xE400;
	s16 =	simm.s32 $0x2  }
0x7: {  	v1 =	vimm.s32 $0x0;
	vm0 =	vcmask $0x300;
	s17 =	simm.s32 $0x4;
	s18 =	simm.s32 $0x12500;
	s19 =	simm.s32 $0x3;
	v0 =	vmul.u32 $0x208, v0  }
0x8: {  	s20 =	simm.s32 $0x0;
	[smem:$0x7FF] =	sst s2;
	s3 =	sand.u32 $0x1, s3;
	v1 =	vsel vm0, $0x3, v1  }
.Ltmp0:
0x9: {  	s4 =	sshll.u32 s1, $0xA;
	_ =	strace $0x80000047;
	v2 =	vadd.s32 $0x2080, v0;
	v3 =	vor.u32 $0x1, v0;
	v4 =	vadd.s32 $0x2081, v0;
	(pc) =	sbr.rel .LBB2_1-.Ltmp0, $4  }
0xa: {  	s8 =	ssub.s32 $0x2, s3;
	s5 =	sshll.u32 s3, $0x9;
	s3 =	sadd.s32 $0xF42A00, s7;
	v5 =	vor.u32 $0x2, v0;
	v6 =	vadd.s32 $0x2082, v0;
	v7 =	vor.u32 $0x3, v0  }
0xb: {  	s9 =	sshrl.u32 s8, $0x1;
	s4 =	sor.u32 s5, s4;
	s5 =	sadd.s32 $0x600, s7;
	v8 =	vadd.s32 $0x2083, v0;
	v9 =	vor.u32 $0x4, v0;
	v10 =	vadd.s32 $0x2084, v0  }
0xc: {  	s7 =	sadd.s32 $0x10600, s7;
	v11 =	vor.u32 $0x5, v0;
	v12 =	vadd.s32 $0x2085, v0;
	v13 =	vor.u32 $0x6, v0;
	s8 =	ssub.s32 s8, s9;
	s31 =	sshrl.u32 s4, $0x3  }
0xd: {  	v14 =	vadd.s32 $0x2086, v0;
	v15 =	vor.u32 $0x7, v0;
	v16 =	vadd.s32 $0x2087, v0;
	s9 =	simm.s32 $0x200;
	s6 =	sadd.s32 s6, s31;
	s8 =	smax.u32 s8, $0x1  }
.LBB2_16:
0xe: {  	s20 =	sadd.s32 $0x1, s20  }
0xf: {  	_ =	swait.ge [sflag:s19], $0x4000;
	p0 =	sne.s32 s20, s8  }
.Ltmp1:
0x10: {  	[sflag:s19] =	ssyncset.done $0x0;
	(pc) =	sbr.rel @!p0 .LBB2_17-.Ltmp1, $4  }
0x11: {  	[sflag:s19] =	ssyncadd.s32 $0xFFFFC000  }
0x12: {  	_ =	swait.ge [sflag:s17], $0x4000  }
0x13: {  	[sflag:s17] =	ssyncset.done $0x0  }
0x14: {  	[sflag:s17] =	ssyncadd.s32 $0xFFFFC000  }
.LBB2_1:
0x15: {  	[tilespmem:s2], [sflag:$0x5] =	stream.strided.gather [hbm4b:s6+s9], $0x6400, s10, s9, $0x38;
	[tilespmem:$0x16600] =	vst v63  }
0x16: {  	_ =	swait.ge [sflag:s11], $0x6400  }
0x17: {  	[sflag:s11] =	ssyncset.done $0x0  }
0x18: {  	[sflag:s11] =	ssyncadd.s32 $0xFFFF9C00  }
0x19: {  	[tilespmem:s12], [sflag:$0x1] =	stream.indirect.gather [hbm4b:s3+s9], $0x20, s2, s9, $0xb8;
	[tilespmem:$0x16600] =	vst v63  }
0x1a: {  	s21 =	simm.s32 $0x0  }
0x1b: {  	[tilespmem:s13], [sflag:$0x2] =	stream.indirect.gather [hbm4b:s3+s9], $0x20, s9, s9, $0xb8;
	[tilespmem:$0x16600] =	vst v63  }
.LBB2_2:
0x1c: {  	_ =	swait.ge [sflag:s14], $0x4000;
	s22 =	simm.s32 $0x0  }
0x1d: {  	p0 =	seq.s32 s21, $0x0;
	[sflag:s14] =	ssyncset.done $0x0;
	v17 =	vmov s22  }
0x1e: {  	s22 =	simm.s32 @!p0 $0x3;
	[sflag:s14] =	ssyncadd.s32 $0xFFFFC000;
	v17 =	vshrl.u32 v17, $0x3  }
0x1f: {  	_ =	swait.ge @!p0 [sflag:s22], $0x4000;
	v17 =	vshll.u32 v17, v1  }
0x20: {  	[sflag:s22] =	ssyncset.done @!p0 $0x0;
	v17 =	vbroadcast v17, $0x0  }
0x21: {  	s23 =	simm.s32 $0x6500;
	[sflag:s22] =	ssyncadd.s32 @!p0 $0xFFFFC000  }
0x22: {  	v18 =	vld [tilespmem:s23+$0xFFFFFF00];
	v19 =	vadd.s32 v0, v17;
	_ =	sdelay $0x4  }
0x23: {  	[tilespmem:v19+s15+$0x0] =	vst.idx.msk $0xffff, v18  }
0x24: {  	s31 =	simm.s32 $0x1;
	v17 =	vadd.s32 v2, v17;
	v18 =	vld [tilespmem:s23+$0xFFFFFF10]  }
0x25: {  	v19 =	vmov s31  }
0x26: {  	v19 =	vshrl.u32 v19, $0x3  }
0x27: {  	v19 =	vshll.u32 v19, v1  }
0x28: {  	v19 =	vbroadcast v19, $0x0  }
0x29: {  	[tilespmem:v17+s15+$0x0] =	vst.idx.msk $0xffff, v18  }
0x2a: {  	v18 =	vadd.s32 v3, v19;
	v17 =	vld [tilespmem:s23+$0xFFFFFF20];
	_ =	sdelay $0x4  }
0x2b: {  	[tilespmem:v18+s15+$0x0] =	vst.idx.msk $0xffff, v17  }
0x2c: {  	s24 =	simm.s32 $0x2;
	v18 =	vadd.s32 v4, v19;
	v17 =	vld [tilespmem:s23+$0xFFFFFF30]  }
0x2d: {  	v19 =	vmov s24  }
0x2e: {  	v19 =	vshrl.u32 v19, $0x3  }
0x2f: {  	v19 =	vshll.u32 v19, v1  }
0x30: {  	v19 =	vbroadcast v19, $0x0  }
0x31: {  	[tilespmem:v18+s15+$0x0] =	vst.idx.msk $0xffff, v17  }
0x32: {  	v18 =	vadd.s32 v5, v19;
	v17 =	vld [tilespmem:s23+$0xFFFFFF40];
	_ =	sdelay $0x4  }
0x33: {  	[tilespmem:v18+s15+$0x0] =	vst.idx.msk $0xffff, v17  }
0x34: {  	s25 =	simm.s32 $0x3;
	v18 =	vadd.s32 v6, v19;
	v17 =	vld [tilespmem:s23+$0xFFFFFF50]  }
0x35: {  	v19 =	vmov s25  }
0x36: {  	v19 =	vshrl.u32 v19, $0x3  }
0x37: {  	v19 =	vshll.u32 v19, v1  }
0x38: {  	v19 =	vbroadcast v19, $0x0  }
0x39: {  	[tilespmem:v18+s15+$0x0] =	vst.idx.msk $0xffff, v17  }
0x3a: {  	v18 =	vadd.s32 v7, v19;
	v17 =	vld [tilespmem:s23+$0xFFFFFF60];
	_ =	sdelay $0x4  }
0x3b: {  	[tilespmem:v18+s15+$0x0] =	vst.idx.msk $0xffff, v17  }
0x3c: {  	s26 =	simm.s32 $0x4;
	v18 =	vadd.s32 v8, v19;
	v17 =	vld [tilespmem:s23+$0xFFFFFF70]  }
0x3d: {  	v19 =	vmov s26  }
0x3e: {  	v19 =	vshrl.u32 v19, $0x3  }
0x3f: {  	v19 =	vshll.u32 v19, v1  }
0x40: {  	v19 =	vbroadcast v19, $0x0  }
0x41: {  	[tilespmem:v18+s15+$0x0] =	vst.idx.msk $0xffff, v17  }
0x42: {  	v18 =	vadd.s32 v9, v19;
	v17 =	vld [tilespmem:s23+$0xFFFFFF80];
	_ =	sdelay $0x4  }
0x43: {  	[tilespmem:v18+s15+$0x0] =	vst.idx.msk $0xffff, v17  }
0x44: {  	s28 =	simm.s32 $0x5;
	v18 =	vadd.s32 v10, v19;
	v17 =	vld [tilespmem:s23+$0xFFFFFF90]  }
0x45: {  	v19 =	vmov s28  }
0x46: {  	v19 =	vshrl.u32 v19, $0x3  }
0x47: {  	v19 =	vshll.u32 v19, v1  }
0x48: {  	v19 =	vbroadcast v19, $0x0  }
0x49: {  	[tilespmem:v18+s15+$0x0] =	vst.idx.msk $0xffff, v17  }
0x4a: {  	v18 =	vadd.s32 v11, v19;
	v17 =	vld [tilespmem:s23+$0xFFFFFFA0];
	_ =	sdelay $0x4  }
0x4b: {  	[tilespmem:v18+s15+$0x0] =	vst.idx.msk $0xffff, v17  }
0x4c: {  	s29 =	simm.s32 $0x6;
	v18 =	vadd.s32 v12, v19;
	v17 =	vld [tilespmem:s23+$0xFFFFFFB0]  }
0x4d: {  	v19 =	vmov s29  }
0x4e: {  	v19 =	vshrl.u32 v19, $0x3  }
0x4f: {  	v19 =	vshll.u32 v19, v1  }
0x50: {  	v19 =	vbroadcast v19, $0x0  }
0x51: {  	[tilespmem:v18+s15+$0x0] =	vst.idx.msk $0xffff, v17  }
0x52: {  	v18 =	vadd.s32 v13, v19;
	v17 =	vld [tilespmem:s23+$0xFFFFFFC0];
	_ =	sdelay $0x4  }
0x53: {  	[tilespmem:v18+s15+$0x0] =	vst.idx.msk $0xffff, v17  }
0x54: {  	s30 =	simm.s32 $0x7;
	v18 =	vadd.s32 v14, v19;
	v17 =	vld [tilespmem:s23+$0xFFFFFFD0]  }
0x55: {  	v19 =	vmov s30  }
0x56: {  	v19 =	vshrl.u32 v19, $0x3  }
0x57: {  	v19 =	vshll.u32 v19, v1  }
0x58: {  	v19 =	vbroadcast v19, $0x0  }
0x59: {  	[tilespmem:v18+s15+$0x0] =	vst.idx.msk $0xffff, v17  }
0x5a: {  	v18 =	vadd.s32 v15, v19;
	v17 =	vld [tilespmem:s23+$0xFFFFFFE0];
	_ =	sdelay $0x4  }
0x5b: {  	[tilespmem:v18+s15+$0x0] =	vst.idx.msk $0xffff, v17  }
0x5c: {  	s31 =	simm.s32 $0x8;
	v18 =	vadd.s32 v16, v19;
	v17 =	vld [tilespmem:s23+$0xFFFFFFF0]  }
0x5d: {  	v19 =	vmov s31  }
0x5e: {  	v19 =	vshrl.u32 v19, $0x3  }
0x5f: {  	v19 =	vshll.u32 v19, v1  }
0x60: {  	v19 =	vbroadcast v19, $0x0  }
0x61: {  	[tilespmem:v18+s15+$0x0] =	vst.idx.msk $0xffff, v17  }
0x62: {  	v18 =	vadd.s32 v0, v19;
	v17 =	vld [tilespmem:s23+$0x0];
	_ =	sdelay $0x4  }
0x63: {  	[tilespmem:v18+s15+$0x0] =	vst.idx.msk $0xffff, v17  }
0x64: {  	s24 =	simm.s32 $0x9;
	v18 =	vadd.s32 v2, v19;
	v17 =	vld [tilespmem:s23+$0x10]  }
0x65: {  	v19 =	vmov s24  }
0x66: {  	v19 =	vshrl.u32 v19, $0x3  }
0x67: {  	v19 =	vshll.u32 v19, v1  }
0x68: {  	v19 =	vbroadcast v19, $0x0  }
0x69: {  	[tilespmem:v18+s15+$0x0] =	vst.idx.msk $0xffff, v17  }
0x6a: {  	v18 =	vadd.s32 v3, v19;
	v17 =	vld [tilespmem:s23+$0x20];
	_ =	sdelay $0x4  }
0x6b: {  	[tilespmem:v18+s15+$0x0] =	vst.idx.msk $0xffff, v17  }
0x6c: {  	s25 =	simm.s32 $0xA;
	v18 =	vadd.s32 v4, v19;
	v17 =	vld [tilespmem:s23+$0x30]  }
0x6d: {  	v19 =	vmov s25  }
0x6e: {  	v19 =	vshrl.u32 v19, $0x3  }
0x6f: {  	v19 =	vshll.u32 v19, v1  }
0x70: {  	v19 =	vbroadcast v19, $0x0  }
0x71: {  	[tilespmem:v18+s15+$0x0] =	vst.idx.msk $0xffff, v17  }
0x72: {  	v18 =	vadd.s32 v5, v19;
	v17 =	vld [tilespmem:s23+$0x40];
	_ =	sdelay $0x4  }
0x73: {  	[tilespmem:v18+s15+$0x0] =	vst.idx.msk $0xffff, v17  }
0x74: {  	s26 =	simm.s32 $0xB;
	v18 =	vadd.s32 v6, v19;
	v17 =	vld [tilespmem:s23+$0x50]  }
0x75: {  	v19 =	vmov s26  }
0x76: {  	v19 =	vshrl.u32 v19, $0x3  }
0x77: {  	v19 =	vshll.u32 v19, v1  }
0x78: {  	v19 =	vbroadcast v19, $0x0  }
0x79: {  	[tilespmem:v18+s15+$0x0] =	vst.idx.msk $0xffff, v17  }
0x7a: {  	v18 =	vadd.s32 v7, v19;
	v17 =	vld [tilespmem:s23+$0x60];
	_ =	sdelay $0x4  }
0x7b: {  	[tilespmem:v18+s15+$0x0] =	vst.idx.msk $0xffff, v17  }
0x7c: {  	s28 =	simm.s32 $0xC;
	v18 =	vadd.s32 v8, v19;
	v17 =	vld [tilespmem:s23+$0x70]  }
0x7d: {  	v19 =	vmov s28  }
0x7e: {  	v19 =	vshrl.u32 v19, $0x3  }
0x7f: {  	v19 =	vshll.u32 v19, v1  }
0x80: {  	v19 =	vbroadcast v19, $0x0  }
0x81: {  	[tilespmem:v18+s15+$0x0] =	vst.idx.msk $0xffff, v17  }
0x82: {  	v18 =	vadd.s32 v9, v19;
	v17 =	vld [tilespmem:s23+$0x80];
	_ =	sdelay $0x4  }
0x83: {  	[tilespmem:v18+s15+$0x0] =	vst.idx.msk $0xffff, v17  }
0x84: {  	s29 =	simm.s32 $0xD;
	v18 =	vadd.s32 v10, v19;
	v17 =	vld [tilespmem:s23+$0x90]  }
0x85: {  	v19 =	vmov s29  }
0x86: {  	v19 =	vshrl.u32 v19, $0x3  }
0x87: {  	v19 =	vshll.u32 v19, v1  }
0x88: {  	v19 =	vbroadcast v19, $0x0  }
0x89: {  	[tilespmem:v18+s15+$0x0] =	vst.idx.msk $0xffff, v17  }
0x8a: {  	v18 =	vadd.s32 v11, v19;
	v17 =	vld [tilespmem:s23+$0xA0];
	_ =	sdelay $0x4  }
0x8b: {  	[tilespmem:v18+s15+$0x0] =	vst.idx.msk $0xffff, v17  }
0x8c: {  	s30 =	simm.s32 $0xE;
	v18 =	vadd.s32 v12, v19;
	v17 =	vld [tilespmem:s23+$0xB0]  }
0x8d: {  	v19 =	vmov s30  }
0x8e: {  	v19 =	vshrl.u32 v19, $0x3  }
0x8f: {  	v19 =	vshll.u32 v19, v1  }
0x90: {  	v19 =	vbroadcast v19, $0x0  }
0x91: {  	[tilespmem:v18+s15+$0x0] =	vst.idx.msk $0xffff, v17  }
0x92: {  	v18 =	vadd.s32 v13, v19;
	v17 =	vld [tilespmem:s23+$0xC0];
	_ =	sdelay $0x4  }
0x93: {  	[tilespmem:v18+s15+$0x0] =	vst.idx.msk $0xffff, v17  }
0x94: {  	s31 =	simm.s32 $0xF;
	v18 =	vadd.s32 v14, v19;
	v17 =	vld [tilespmem:s23+$0xD0]  }
0x95: {  	v19 =	vmov s31  }
0x96: {  	v19 =	vshrl.u32 v19, $0x3  }
0x97: {  	v19 =	vshll.u32 v19, v1  }
0x98: {  	v19 =	vbroadcast v19, $0x0  }
0x99: {  	[tilespmem:v18+s15+$0x0] =	vst.idx.msk $0xffff, v17  }
0x9a: {  	v18 =	vadd.s32 v15, v19;
	v17 =	vld [tilespmem:s23+$0xE0];
	_ =	sdelay $0x4  }
0x9b: {  	s22 =	sshll.u32 s21, $0xC;
	[tilespmem:v18+s15+$0x0] =	vst.idx.msk $0xffff, v17  }
0x9c: {  	s24 =	simm.s32 $0x1F;
	s25 =	simm.s32 $0x2F;
	s26 =	simm.s32 $0x10;
	v18 =	vadd.s32 v16, v19;
	v17 =	vld [tilespmem:s23+$0xF0]  }
.LBB2_3:
0x9d: {  	p1 =	sne.s32 s25, $0x1FF;
	v19 =	vmov s26  }
0x9e: {  	v19 =	vshrl.u32 v19, $0x3  }
0x9f: {  	v19 =	vshll.u32 v19, v1  }
0xa0: {  	v19 =	vbroadcast v19, $0x0  }
0xa1: {  	s23 =	sadd.s32 $0x200, s23;
	[tilespmem:v18+s15+$0x0] =	vst.idx.msk $0xffff, v17  }
0xa2: {  	v17 =	vld [tilespmem:s23+$0xFFFFFF00];
	v18 =	vadd.s32 v0, v19;
	_ =	sdelay $0x4  }
0xa3: {  	[tilespmem:v18+s15+$0x0] =	vst.idx.msk $0xffff, v17  }
0xa4: {  	s26 =	sadd.s32 $0xFFFFFFF2, s24;
	v18 =	vadd.s32 v2, v19;
	v17 =	vld [tilespmem:s23+$0xFFFFFF10]  }
0xa5: {  	v19 =	vmov s26  }
0xa6: {  	v19 =	vshrl.u32 v19, $0x3  }
0xa7: {  	v19 =	vshll.u32 v19, v1  }
0xa8: {  	v19 =	vbroadcast v19, $0x0  }
0xa9: {  	[tilespmem:v18+s15+$0x0] =	vst.idx.msk $0xffff, v17  }
0xaa: {  	v18 =	vadd.s32 v3, v19;
	v17 =	vld [tilespmem:s23+$0xFFFFFF20];
	_ =	sdelay $0x4  }
0xab: {  	[tilespmem:v18+s15+$0x0] =	vst.idx.msk $0xffff, v17  }
0xac: {  	s26 =	sadd.s32 $0xFFFFFFF3, s24;
	v18 =	vadd.s32 v4, v19;
	v17 =	vld [tilespmem:s23+$0xFFFFFF30]  }
0xad: {  	v19 =	vmov s26  }
0xae: {  	v19 =	vshrl.u32 v19, $0x3  }
0xaf: {  	v19 =	vshll.u32 v19, v1  }
0xb0: {  	v19 =	vbroadcast v19, $0x0  }
0xb1: {  	[tilespmem:v18+s15+$0x0] =	vst.idx.msk $0xffff, v17  }
0xb2: {  	v18 =	vadd.s32 v5, v19;
	v17 =	vld [tilespmem:s23+$0xFFFFFF40];
	_ =	sdelay $0x4  }
0xb3: {  	[tilespmem:v18+s15+$0x0] =	vst.idx.msk $0xffff, v17  }
0xb4: {  	s26 =	sadd.s32 $0xFFFFFFF4, s24;
	v18 =	vadd.s32 v6, v19;
	v17 =	vld [tilespmem:s23+$0xFFFFFF50]  }
0xb5: {  	v19 =	vmov s26  }
0xb6: {  	v19 =	vshrl.u32 v19, $0x3  }
0xb7: {  	v19 =	vshll.u32 v19, v1  }
0xb8: {  	v19 =	vbroadcast v19, $0x0  }
0xb9: {  	[tilespmem:v18+s15+$0x0] =	vst.idx.msk $0xffff, v17  }
0xba: {  	v18 =	vadd.s32 v7, v19;
	v17 =	vld [tilespmem:s23+$0xFFFFFF60];
	_ =	sdelay $0x4  }
0xbb: {  	[tilespmem:v18+s15+$0x0] =	vst.idx.msk $0xffff, v17  }
0xbc: {  	s26 =	sadd.s32 $0xFFFFFFF5, s24;
	v18 =	vadd.s32 v8, v19;
	v17 =	vld [tilespmem:s23+$0xFFFFFF70]  }
0xbd: {  	v19 =	vmov s26  }
0xbe: {  	v19 =	vshrl.u32 v19, $0x3  }
0xbf: {  	v19 =	vshll.u32 v19, v1  }
0xc0: {  	v19 =	vbroadcast v19, $0x0  }
0xc1: {  	[tilespmem:v18+s15+$0x0] =	vst.idx.msk $0xffff, v17  }
0xc2: {  	v18 =	vadd.s32 v9, v19;
	v17 =	vld [tilespmem:s23+$0xFFFFFF80];
	_ =	sdelay $0x4  }
0xc3: {  	[tilespmem:v18+s15+$0x0] =	vst.idx.msk $0xffff, v17  }
0xc4: {  	s26 =	sadd.s32 $0xFFFFFFF6, s24;
	v18 =	vadd.s32 v10, v19;
	v17 =	vld [tilespmem:s23+$0xFFFFFF90]  }
0xc5: {  	v19 =	vmov s26  }
0xc6: {  	v19 =	vshrl.u32 v19, $0x3  }
0xc7: {  	v19 =	vshll.u32 v19, v1  }
0xc8: {  	v19 =	vbroadcast v19, $0x0  }
0xc9: {  	[tilespmem:v18+s15+$0x0] =	vst.idx.msk $0xffff, v17  }
0xca: {  	v18 =	vadd.s32 v11, v19;
	v17 =	vld [tilespmem:s23+$0xFFFFFFA0];
	_ =	sdelay $0x4  }
0xcb: {  	[tilespmem:v18+s15+$0x0] =	vst.idx.msk $0xffff, v17  }
0xcc: {  	s26 =	sadd.s32 $0xFFFFFFF7, s24;
	v18 =	vadd.s32 v12, v19;
	v17 =	vld [tilespmem:s23+$0xFFFFFFB0]  }
0xcd: {  	v19 =	vmov s26  }
0xce: {  	v19 =	vshrl.u32 v19, $0x3  }
0xcf: {  	v19 =	vshll.u32 v19, v1  }
0xd0: {  	v19 =	vbroadcast v19, $0x0  }
0xd1: {  	[tilespmem:v18+s15+$0x0] =	vst.idx.msk $0xffff, v17  }
0xd2: {  	v18 =	vadd.s32 v13, v19;
	v17 =	vld [tilespmem:s23+$0xFFFFFFC0];
	_ =	sdelay $0x4  }
0xd3: {  	[tilespmem:v18+s15+$0x0] =	vst.idx.msk $0xffff, v17  }
0xd4: {  	s26 =	sadd.s32 $0xFFFFFFF8, s24;
	v18 =	vadd.s32 v14, v19;
	v17 =	vld [tilespmem:s23+$0xFFFFFFD0]  }
0xd5: {  	v19 =	vmov s26  }
0xd6: {  	v19 =	vshrl.u32 v19, $0x3  }
0xd7: {  	v19 =	vshll.u32 v19, v1  }
0xd8: {  	v19 =	vbroadcast v19, $0x0  }
0xd9: {  	[tilespmem:v18+s15+$0x0] =	vst.idx.msk $0xffff, v17  }
0xda: {  	v18 =	vadd.s32 v15, v19;
	v17 =	vld [tilespmem:s23+$0xFFFFFFE0];
	_ =	sdelay $0x4  }
0xdb: {  	[tilespmem:v18+s15+$0x0] =	vst.idx.msk $0xffff, v17  }
0xdc: {  	s26 =	sadd.s32 $0xFFFFFFF9, s24;
	v18 =	vadd.s32 v16, v19;
	v17 =	vld [tilespmem:s23+$0xFFFFFFF0]  }
0xdd: {  	v19 =	vmov s26  }
0xde: {  	v19 =	vshrl.u32 v19, $0x3  }
0xdf: {  	v19 =	vshll.u32 v19, v1  }
0xe0: {  	v19 =	vbroadcast v19, $0x0  }
0xe1: {  	[tilespmem:v18+s15+$0x0] =	vst.idx.msk $0xffff, v17  }
0xe2: {  	v18 =	vadd.s32 v0, v19;
	v17 =	vld [tilespmem:s23+$0x0];
	_ =	sdelay $0x4  }
0xe3: {  	[tilespmem:v18+s15+$0x0] =	vst.idx.msk $0xffff, v17  }
0xe4: {  	s26 =	sadd.s32 $0xFFFFFFFA, s24;
	v18 =	vadd.s32 v2, v19;
	v17 =	vld [tilespmem:s23+$0x10]  }
0xe5: {  	v19 =	vmov s26  }
0xe6: {  	v19 =	vshrl.u32 v19, $0x3  }
0xe7: {  	v19 =	vshll.u32 v19, v1  }
0xe8: {  	v19 =	vbroadcast v19, $0x0  }
0xe9: {  	[tilespmem:v18+s15+$0x0] =	vst.idx.msk $0xffff, v17  }
0xea: {  	v18 =	vadd.s32 v3, v19;
	v17 =	vld [tilespmem:s23+$0x20];
	_ =	sdelay $0x4  }
0xeb: {  	[tilespmem:v18+s15+$0x0] =	vst.idx.msk $0xffff, v17  }
0xec: {  	s26 =	sadd.s32 $0xFFFFFFFB, s24;
	v18 =	vadd.s32 v4, v19;
	v17 =	vld [tilespmem:s23+$0x30]  }
0xed: {  	v19 =	vmov s26  }
0xee: {  	v19 =	vshrl.u32 v19, $0x3  }
0xef: {  	v19 =	vshll.u32 v19, v1  }
0xf0: {  	v19 =	vbroadcast v19, $0x0  }
0xf1: {  	[tilespmem:v18+s15+$0x0] =	vst.idx.msk $0xffff, v17  }
0xf2: {  	v18 =	vadd.s32 v5, v19;
	v17 =	vld [tilespmem:s23+$0x40];
	_ =	sdelay $0x4  }
0xf3: {  	[tilespmem:v18+s15+$0x0] =	vst.idx.msk $0xffff, v17  }
0xf4: {  	s26 =	sadd.s32 $0xFFFFFFFC, s24;
	v18 =	vadd.s32 v6, v19;
	v17 =	vld [tilespmem:s23+$0x50]  }
0xf5: {  	v19 =	vmov s26  }
0xf6: {  	v19 =	vshrl.u32 v19, $0x3  }
0xf7: {  	v19 =	vshll.u32 v19, v1  }
0xf8: {  	v19 =	vbroadcast v19, $0x0  }
0xf9: {  	[tilespmem:v18+s15+$0x0] =	vst.idx.msk $0xffff, v17  }
0xfa: {  	v18 =	vadd.s32 v7, v19;
	v17 =	vld [tilespmem:s23+$0x60];
	_ =	sdelay $0x4  }
0xfb: {  	[tilespmem:v18+s15+$0x0] =	vst.idx.msk $0xffff, v17  }
0xfc: {  	s26 =	sadd.s32 $0xFFFFFFFD, s24;
	v18 =	vadd.s32 v8, v19;
	v17 =	vld [tilespmem:s23+$0x70]  }
0xfd: {  	v19 =	vmov s26  }
0xfe: {  	v19 =	vshrl.u32 v19, $0x3  }
0xff: {  	v19 =	vshll.u32 v19, v1  }
0x100: {  	v19 =	vbroadcast v19, $0x0  }
0x101: {  	[tilespmem:v18+s15+$0x0] =	vst.idx.msk $0xffff, v17  }
0x102: {  	v18 =	vadd.s32 v9, v19;
	v17 =	vld [tilespmem:s23+$0x80];
	_ =	sdelay $0x4  }
0x103: {  	[tilespmem:v18+s15+$0x0] =	vst.idx.msk $0xffff, v17  }
0x104: {  	s26 =	sadd.s32 $0xFFFFFFFE, s24;
	v18 =	vadd.s32 v10, v19;
	v17 =	vld [tilespmem:s23+$0x90]  }
0x105: {  	v19 =	vmov s26  }
0x106: {  	v19 =	vshrl.u32 v19, $0x3  }
0x107: {  	v19 =	vshll.u32 v19, v1  }
0x108: {  	v19 =	vbroadcast v19, $0x0  }
0x109: {  	[tilespmem:v18+s15+$0x0] =	vst.idx.msk $0xffff, v17  }
0x10a: {  	v18 =	vadd.s32 v11, v19;
	v17 =	vld [tilespmem:s23+$0xA0];
	_ =	sdelay $0x4  }
0x10b: {  	[tilespmem:v18+s15+$0x0] =	vst.idx.msk $0xffff, v17  }
0x10c: {  	s26 =	sadd.s32 $0xFFFFFFFF, s24;
	v18 =	vadd.s32 v12, v19;
	v17 =	vld [tilespmem:s23+$0xB0]  }
0x10d: {  	v19 =	vmov s26  }
0x10e: {  	v19 =	vshrl.u32 v19, $0x3  }
0x10f: {  	v19 =	vshll.u32 v19, v1  }
0x110: {  	v19 =	vbroadcast v19, $0x0  }
0x111: {  	[tilespmem:v18+s15+$0x0] =	vst.idx.msk $0xffff, v17  }
0x112: {  	v18 =	vadd.s32 v13, v19;
	v17 =	vld [tilespmem:s23+$0xC0];
	_ =	sdelay $0x4  }
0x113: {  	[tilespmem:v18+s15+$0x0] =	vst.idx.msk $0xffff, v17  }
0x114: {  	v18 =	vadd.s32 v14, v19;
	v17 =	vld [tilespmem:s23+$0xD0]  }
0x115: {  	v19 =	vmov s24;
	s24 =	smov.u32 s25  }
0x116: {  	v19 =	vshrl.u32 v19, $0x3  }
0x117: {  	v19 =	vshll.u32 v19, v1  }
0x118: {  	v19 =	vbroadcast v19, $0x0  }
0x119: {  	[tilespmem:v18+s15+$0x0] =	vst.idx.msk $0xffff, v17  }
0x11a: {  	v18 =	vadd.s32 v15, v19;
	v17 =	vld [tilespmem:s23+$0xE0];
	_ =	sdelay $0x1  }
.Ltmp2:
0x11b: {  	(pc) =	sbr.rel @p1 .LBB2_3-.Ltmp2, $3  }
0x11c: {  	_ =	sdelay $0x1  }
0x11d: {  	[tilespmem:v18+s15+$0x0] =	vst.idx.msk $0xffff, v17  }
0x11e: {  	s25 =	sadd.s32 $0x10, s25;
	s26 =	sadd.s32 $0xFFFFFFF1, s24;
	v18 =	vadd.s32 v16, v19;
	v17 =	vld [tilespmem:s23+$0xF0]  }
0x11f: {  	v19 =	vmov s26  }
0x120: {  	v19 =	vshrl.u32 v19, $0x3  }
0x121: {  	v19 =	vshll.u32 v19, v1  }
0x122: {  	v19 =	vbroadcast v19, $0x0  }
0x123: {  	s23 =	sadd.s32 $0x200, s23;
	[tilespmem:v18+s15+$0x0] =	vst.idx.msk $0xffff, v17  }
0x124: {  	v17 =	vld [tilespmem:s23+$0xFFFFFF00];
	v18 =	vadd.s32 v0, v19;
	_ =	sdelay $0x4  }
0x125: {  	[tilespmem:v18+s15+$0x0] =	vst.idx.msk $0xffff, v17  }
0x126: {  	s25 =	sadd.s32 $0xFFFFFFF2, s24;
	v18 =	vadd.s32 v2, v19;
	v17 =	vld [tilespmem:s23+$0xFFFFFF10]  }
0x127: {  	v19 =	vmov s25  }
0x128: {  	v19 =	vshrl.u32 v19, $0x3  }
0x129: {  	v19 =	vshll.u32 v19, v1  }
0x12a: {  	v19 =	vbroadcast v19, $0x0  }
0x12b: {  	[tilespmem:v18+s15+$0x0] =	vst.idx.msk $0xffff, v17  }
0x12c: {  	v18 =	vadd.s32 v3, v19;
	v17 =	vld [tilespmem:s23+$0xFFFFFF20];
	_ =	sdelay $0x4  }
0x12d: {  	[tilespmem:v18+s15+$0x0] =	vst.idx.msk $0xffff, v17  }
0x12e: {  	s30 =	sadd.s32 $0xFFFFFFF3, s24;
	v18 =	vadd.s32 v4, v19;
	v17 =	vld [tilespmem:s23+$0xFFFFFF30]  }
0x12f: {  	v19 =	vmov s30  }
0x130: {  	v19 =	vshrl.u32 v19, $0x3  }
0x131: {  	v19 =	vshll.u32 v19, v1  }
0x132: {  	v19 =	vbroadcast v19, $0x0  }
0x133: {  	[tilespmem:v18+s15+$0x0] =	vst.idx.msk $0xffff, v17  }
0x134: {  	v18 =	vadd.s32 v5, v19;
	v17 =	vld [tilespmem:s23+$0xFFFFFF40];
	_ =	sdelay $0x4  }
0x135: {  	[tilespmem:v18+s15+$0x0] =	vst.idx.msk $0xffff, v17  }
0x136: {  	s31 =	sadd.s32 $0xFFFFFFF4, s24;
	v18 =	vadd.s32 v6, v19;
	v17 =	vld [tilespmem:s23+$0xFFFFFF50]  }
0x137: {  	v19 =	vmov s31  }
0x138: {  	v19 =	vshrl.u32 v19, $0x3  }
0x139: {  	v19 =	vshll.u32 v19, v1  }
0x13a: {  	v19 =	vbroadcast v19, $0x0  }
0x13b: {  	[tilespmem:v18+s15+$0x0] =	vst.idx.msk $0xffff, v17  }
0x13c: {  	v18 =	vadd.s32 v7, v19;
	v17 =	vld [tilespmem:s23+$0xFFFFFF60];
	_ =	sdelay $0x4  }
0x13d: {  	[tilespmem:v18+s15+$0x0] =	vst.idx.msk $0xffff, v17  }
0x13e: {  	s26 =	sadd.s32 $0xFFFFFFF5, s24;
	v18 =	vadd.s32 v8, v19;
	v17 =	vld [tilespmem:s23+$0xFFFFFF70]  }
0x13f: {  	v19 =	vmov s26  }
0x140: {  	v19 =	vshrl.u32 v19, $0x3  }
0x141: {  	v19 =	vshll.u32 v19, v1  }
0x142: {  	v19 =	vbroadcast v19, $0x0  }
0x143: {  	[tilespmem:v18+s15+$0x0] =	vst.idx.msk $0xffff, v17  }
0x144: {  	v18 =	vadd.s32 v9, v19;
	v17 =	vld [tilespmem:s23+$0xFFFFFF80];
	_ =	sdelay $0x4  }
0x145: {  	[tilespmem:v18+s15+$0x0] =	vst.idx.msk $0xffff, v17  }
0x146: {  	s30 =	sadd.s32 $0xFFFFFFF6, s24;
	v18 =	vadd.s32 v10, v19;
	v17 =	vld [tilespmem:s23+$0xFFFFFF90]  }
0x147: {  	v19 =	vmov s30  }
0x148: {  	v19 =	vshrl.u32 v19, $0x3  }
0x149: {  	v19 =	vshll.u32 v19, v1  }
0x14a: {  	v19 =	vbroadcast v19, $0x0  }
0x14b: {  	[tilespmem:v18+s15+$0x0] =	vst.idx.msk $0xffff, v17  }
0x14c: {  	v18 =	vadd.s32 v11, v19;
	v17 =	vld [tilespmem:s23+$0xFFFFFFA0];
	_ =	sdelay $0x4  }
0x14d: {  	[tilespmem:v18+s15+$0x0] =	vst.idx.msk $0xffff, v17  }
0x14e: {  	s31 =	sadd.s32 $0xFFFFFFF7, s24;
	v18 =	vadd.s32 v12, v19;
	v17 =	vld [tilespmem:s23+$0xFFFFFFB0]  }
0x14f: {  	v19 =	vmov s31  }
0x150: {  	v19 =	vshrl.u32 v19, $0x3  }
0x151: {  	v19 =	vshll.u32 v19, v1  }
0x152: {  	v19 =	vbroadcast v19, $0x0  }
0x153: {  	[tilespmem:v18+s15+$0x0] =	vst.idx.msk $0xffff, v17  }
0x154: {  	v18 =	vadd.s32 v13, v19;
	v17 =	vld [tilespmem:s23+$0xFFFFFFC0];
	_ =	sdelay $0x4  }
0x155: {  	[tilespmem:v18+s15+$0x0] =	vst.idx.msk $0xffff, v17  }
0x156: {  	s26 =	sadd.s32 $0xFFFFFFF8, s24;
	v18 =	vadd.s32 v14, v19;
	v17 =	vld [tilespmem:s23+$0xFFFFFFD0]  }
0x157: {  	v19 =	vmov s26  }
0x158: {  	v19 =	vshrl.u32 v19, $0x3  }
0x159: {  	v19 =	vshll.u32 v19, v1  }
0x15a: {  	v19 =	vbroadcast v19, $0x0  }
0x15b: {  	[tilespmem:v18+s15+$0x0] =	vst.idx.msk $0xffff, v17  }
0x15c: {  	v18 =	vadd.s32 v15, v19;
	v17 =	vld [tilespmem:s23+$0xFFFFFFE0];
	_ =	sdelay $0x4  }
0x15d: {  	[tilespmem:v18+s15+$0x0] =	vst.idx.msk $0xffff, v17  }
0x15e: {  	s30 =	sadd.s32 $0xFFFFFFF9, s24;
	v18 =	vadd.s32 v16, v19;
	v17 =	vld [tilespmem:s23+$0xFFFFFFF0]  }
0x15f: {  	v19 =	vmov s30  }
0x160: {  	v19 =	vshrl.u32 v19, $0x3  }
0x161: {  	v19 =	vshll.u32 v19, v1  }
0x162: {  	v19 =	vbroadcast v19, $0x0  }
0x163: {  	[tilespmem:v18+s15+$0x0] =	vst.idx.msk $0xffff, v17  }
0x164: {  	v18 =	vadd.s32 v0, v19;
	v17 =	vld [tilespmem:s23+$0x0];
	_ =	sdelay $0x4  }
0x165: {  	[tilespmem:v18+s15+$0x0] =	vst.idx.msk $0xffff, v17  }
0x166: {  	s31 =	sadd.s32 $0xFFFFFFFA, s24;
	v18 =	vadd.s32 v2, v19;
	v17 =	vld [tilespmem:s23+$0x10]  }
0x167: {  	v19 =	vmov s31  }
0x168: {  	v19 =	vshrl.u32 v19, $0x3  }
0x169: {  	v19 =	vshll.u32 v19, v1  }
0x16a: {  	v19 =	vbroadcast v19, $0x0  }
0x16b: {  	[tilespmem:v18+s15+$0x0] =	vst.idx.msk $0xffff, v17  }
0x16c: {  	v18 =	vadd.s32 v3, v19;
	v17 =	vld [tilespmem:s23+$0x20];
	_ =	sdelay $0x4  }
0x16d: {  	[tilespmem:v18+s15+$0x0] =	vst.idx.msk $0xffff, v17  }
0x16e: {  	s26 =	sadd.s32 $0xFFFFFFFB, s24;
	v18 =	vadd.s32 v4, v19;
	v17 =	vld [tilespmem:s23+$0x30]  }
0x16f: {  	v19 =	vmov s26  }
0x170: {  	v19 =	vshrl.u32 v19, $0x3  }
0x171: {  	v19 =	vshll.u32 v19, v1  }
0x172: {  	v19 =	vbroadcast v19, $0x0  }
0x173: {  	[tilespmem:v18+s15+$0x0] =	vst.idx.msk $0xffff, v17  }
0x174: {  	v18 =	vadd.s32 v5, v19;
	v17 =	vld [tilespmem:s23+$0x40];
	_ =	sdelay $0x4  }
0x175: {  	[tilespmem:v18+s15+$0x0] =	vst.idx.msk $0xffff, v17  }
0x176: {  	s30 =	sadd.s32 $0xFFFFFFFC, s24;
	v18 =	vadd.s32 v6, v19;
	v17 =	vld [tilespmem:s23+$0x50]  }
0x177: {  	v19 =	vmov s30  }
0x178: {  	v19 =	vshrl.u32 v19, $0x3  }
0x179: {  	v19 =	vshll.u32 v19, v1  }
0x17a: {  	v19 =	vbroadcast v19, $0x0  }
0x17b: {  	[tilespmem:v18+s15+$0x0] =	vst.idx.msk $0xffff, v17  }
0x17c: {  	v18 =	vadd.s32 v7, v19;
	v17 =	vld [tilespmem:s23+$0x60];
	_ =	sdelay $0x4  }
0x17d: {  	[tilespmem:v18+s15+$0x0] =	vst.idx.msk $0xffff, v17  }
0x17e: {  	s31 =	sadd.s32 $0xFFFFFFFD, s24;
	v18 =	vadd.s32 v8, v19;
	v17 =	vld [tilespmem:s23+$0x70]  }
0x17f: {  	v19 =	vmov s31  }
0x180: {  	v19 =	vshrl.u32 v19, $0x3  }
0x181: {  	v19 =	vshll.u32 v19, v1  }
0x182: {  	v19 =	vbroadcast v19, $0x0  }
0x183: {  	[tilespmem:v18+s15+$0x0] =	vst.idx.msk $0xffff, v17  }
0x184: {  	v18 =	vadd.s32 v9, v19;
	v17 =	vld [tilespmem:s23+$0x80];
	_ =	sdelay $0x4  }
0x185: {  	[tilespmem:v18+s15+$0x0] =	vst.idx.msk $0xffff, v17  }
0x186: {  	s26 =	sadd.s32 $0xFFFFFFFE, s24;
	v18 =	vadd.s32 v10, v19;
	v17 =	vld [tilespmem:s23+$0x90]  }
0x187: {  	v19 =	vmov s26  }
0x188: {  	v19 =	vshrl.u32 v19, $0x3  }
0x189: {  	v19 =	vshll.u32 v19, v1  }
0x18a: {  	v19 =	vbroadcast v19, $0x0  }
0x18b: {  	[tilespmem:v18+s15+$0x0] =	vst.idx.msk $0xffff, v17  }
0x18c: {  	v18 =	vadd.s32 v11, v19;
	v17 =	vld [tilespmem:s23+$0xA0];
	_ =	sdelay $0x4  }
0x18d: {  	[tilespmem:v18+s15+$0x0] =	vst.idx.msk $0xffff, v17  }
0x18e: {  	s30 =	sadd.s32 $0xFFFFFFFF, s24;
	v18 =	vadd.s32 v12, v19;
	v17 =	vld [tilespmem:s23+$0xB0]  }
0x18f: {  	v19 =	vmov s30  }
0x190: {  	v19 =	vshrl.u32 v19, $0x3  }
0x191: {  	v19 =	vshll.u32 v19, v1  }
0x192: {  	v19 =	vbroadcast v19, $0x0  }
0x193: {  	[tilespmem:v18+s15+$0x0] =	vst.idx.msk $0xffff, v17  }
0x194: {  	v18 =	vadd.s32 v13, v19;
	v17 =	vld [tilespmem:s23+$0xC0];
	_ =	sdelay $0x4  }
0x195: {  	[tilespmem:v18+s15+$0x0] =	vst.idx.msk $0xffff, v17  }
0x196: {  	v18 =	vadd.s32 v14, v19;
	v17 =	vld [tilespmem:s23+$0xD0]  }
0x197: {  	v19 =	vmov s24  }
0x198: {  	v19 =	vshrl.u32 v19, $0x3  }
0x199: {  	v19 =	vshll.u32 v19, v1  }
0x19a: {  	v19 =	vbroadcast v19, $0x0  }
0x19b: {  	[tilespmem:v18+s15+$0x0] =	vst.idx.msk $0xffff, v17  }
0x19c: {  	v18 =	vadd.s32 v15, v19;
	v17 =	vld [tilespmem:s23+$0xE0];
	_ =	sdelay $0x4  }
0x19d: {  	[tilespmem:v18+s15+$0x0] =	vst.idx.msk $0xffff, v17  }
0x19e: {  	v18 =	vadd.s32 v16, v19;
	v17 =	vld [tilespmem:s23+$0xF0]  }
0x19f: {  	s31 =	sshll.u32 s21, $0x14  }
0x1a0: {  	s23 =	sor.u32 s4, s31  }
0x1a1: {  	s23 =	sshrl.u32 s23, $0x3  }
0x1a2: {  	s28 =	simm.s32 $0xE608;
	s24 =	sadd.s32 s5, s23  }
0x1a3: {  	s25 =	simm.s32 $0xE400;
	s26 =	simm.s32 $0x800;
	s29 =	sadd.s32 $0x0, s24;
	[tilespmem:v18+s15+$0x0] =	vst.idx.msk $0xffff, v17  }
.LBB2_5:
0x1a4: {  	[hbm4b:s29+s2] =	stream.linear.scatter [tilespmem:s25], [sflag:$0x3], $0x200, $0x38;
	[tilespmem:$0x16600] =	vst v63  }
0x1a5: {  	s29 =	smov.u32 s26;
	s25 =	smov.u32 s28;
	p1 =	sne.s32 s26, $0xF800  }
.Ltmp3:
0x1a6: {  	s26 =	sadd.s32 $0x800, s26;
	(pc) =	sbr.rel @p1 .LBB2_5-.Ltmp3, $2  }
0x1a7: {  	_ =	sdelay $0x2  }
0x1a8: {  	s28 =	sadd.s32 $0x208, s28;
	s29 =	sadd.s32 s29, s24  }
0x1a9: {  	p1 =	sne.s32 s21, $0x18  }
.Ltmp4:
0x1aa: {  	_ = 	snop;
	(pc) =	sbr.rel @p1 .LBB2_8-.Ltmp4, $2  }
0x1ab: {  	_ =	sdelay $0x2  }
0x1ac: {  	[hbm4b:s29+s2] =	stream.linear.scatter [tilespmem:s25], [sflag:$0x3], $0x200, $0x38;
	[tilespmem:$0x16600] =	vst v63  }
.Ltmp5:
0x1ad: {  	(pc) =	sbr.rel .LBB2_9-.Ltmp5, $4  }
0x1ae: {  	_ = 	snop  }
0x1af: {  	_ =	swait.ge [sflag:s16], $0x4000  }
0x1b0: {  	[sflag:s16] =	ssyncset.done $0x0  }
0x1b1: {  	[sflag:s16] =	ssyncadd.s32 $0xFFFFC000  }
.LBB2_8:
0x1b2: {  	s24 =	sshrl.u32 s22, $0x2  }
.Ltmp6:
0x1b3: {  	s24 =	sadd.s32 $0x400, s24;
	(pc) =	sbr.rel @p0 .LBB2_10-.Ltmp6, $4  }
0x1b4: {  	[tilespmem:s12], [sflag:$0x1] =	stream.indirect.gather [hbm4b:s3+s9], $0x20, s24, s9, $0xb8;
	[tilespmem:$0x16600] =	vst v63  }
0x1b5: {  	_ =	swait.ge [sflag:s16], $0x4000  }
0x1b6: {  	[sflag:s16] =	ssyncset.done $0x0  }
0x1b7: {  	[sflag:s16] =	ssyncadd.s32 $0xFFFFC000  }
.LBB2_9:
0x1b8: {  	_ =	swait.ge [sflag:s17], $0x4000  }
0x1b9: {  	[sflag:s17] =	ssyncset.done $0x0  }
0x1ba: {  	[sflag:s17] =	ssyncadd.s32 $0xFFFFC000  }
.LBB2_10:
0x1bb: {  	s24 =	simm.s32 $0x0  }
0x1bc: {  	v17 =	vmov s24  }
0x1bd: {  	v17 =	vshrl.u32 v17, $0x3  }
0x1be: {  	v17 =	vshll.u32 v17, v1  }
0x1bf: {  	v17 =	vbroadcast v17, $0x0  }
0x1c0: {  	s24 =	simm.s32 $0xA500  }
0x1c1: {  	v18 =	vld [tilespmem:s24+$0xFFFFFF00];
	v19 =	vadd.s32 v0, v17;
	_ =	sdelay $0x4  }
0x1c2: {  	[tilespmem:v19+s18+$0x0] =	vst.idx.msk $0xffff, v18  }
0x1c3: {  	s25 =	simm.s32 $0x1;
	v17 =	vadd.s32 v2, v17;
	v18 =	vld [tilespmem:s24+$0xFFFFFF10]  }
0x1c4: {  	v19 =	vmov s25  }
0x1c5: {  	v19 =	vshrl.u32 v19, $0x3  }
0x1c6: {  	v19 =	vshll.u32 v19, v1  }
0x1c7: {  	v19 =	vbroadcast v19, $0x0  }
0x1c8: {  	[tilespmem:v17+s18+$0x0] =	vst.idx.msk $0xffff, v18  }
0x1c9: {  	v18 =	vadd.s32 v3, v19;
	v17 =	vld [tilespmem:s24+$0xFFFFFF20];
	_ =	sdelay $0x4  }
0x1ca: {  	[tilespmem:v18+s18+$0x0] =	vst.idx.msk $0xffff, v17  }
0x1cb: {  	s30 =	simm.s32 $0x2;
	v18 =	vadd.s32 v4, v19;
	v17 =	vld [tilespmem:s24+$0xFFFFFF30]  }
0x1cc: {  	v19 =	vmov s30  }
0x1cd: {  	v19 =	vshrl.u32 v19, $0x3  }
0x1ce: {  	v19 =	vshll.u32 v19, v1  }
0x1cf: {  	v19 =	vbroadcast v19, $0x0  }
0x1d0: {  	[tilespmem:v18+s18+$0x0] =	vst.idx.msk $0xffff, v17  }
0x1d1: {  	v18 =	vadd.s32 v5, v19;
	v17 =	vld [tilespmem:s24+$0xFFFFFF40];
	_ =	sdelay $0x4  }
0x1d2: {  	[tilespmem:v18+s18+$0x0] =	vst.idx.msk $0xffff, v17  }
0x1d3: {  	s31 =	simm.s32 $0x3;
	v18 =	vadd.s32 v6, v19;
	v17 =	vld [tilespmem:s24+$0xFFFFFF50]  }
0x1d4: {  	v19 =	vmov s31  }
0x1d5: {  	v19 =	vshrl.u32 v19, $0x3  }
0x1d6: {  	v19 =	vshll.u32 v19, v1  }
0x1d7: {  	v19 =	vbroadcast v19, $0x0  }
0x1d8: {  	[tilespmem:v18+s18+$0x0] =	vst.idx.msk $0xffff, v17  }
0x1d9: {  	v18 =	vadd.s32 v7, v19;
	v17 =	vld [tilespmem:s24+$0xFFFFFF60];
	_ =	sdelay $0x4  }
0x1da: {  	[tilespmem:v18+s18+$0x0] =	vst.idx.msk $0xffff, v17  }
0x1db: {  	s26 =	simm.s32 $0x4;
	v18 =	vadd.s32 v8, v19;
	v17 =	vld [tilespmem:s24+$0xFFFFFF70]  }
0x1dc: {  	v19 =	vmov s26  }
0x1dd: {  	v19 =	vshrl.u32 v19, $0x3  }
0x1de: {  	v19 =	vshll.u32 v19, v1  }
0x1df: {  	v19 =	vbroadcast v19, $0x0  }
0x1e0: {  	[tilespmem:v18+s18+$0x0] =	vst.idx.msk $0xffff, v17  }
0x1e1: {  	v18 =	vadd.s32 v9, v19;
	v17 =	vld [tilespmem:s24+$0xFFFFFF80];
	_ =	sdelay $0x4  }
0x1e2: {  	[tilespmem:v18+s18+$0x0] =	vst.idx.msk $0xffff, v17  }
0x1e3: {  	s29 =	simm.s32 $0x5;
	v18 =	vadd.s32 v10, v19;
	v17 =	vld [tilespmem:s24+$0xFFFFFF90]  }
0x1e4: {  	v19 =	vmov s29  }
0x1e5: {  	v19 =	vshrl.u32 v19, $0x3  }
0x1e6: {  	v19 =	vshll.u32 v19, v1  }
0x1e7: {  	v19 =	vbroadcast v19, $0x0  }
0x1e8: {  	[tilespmem:v18+s18+$0x0] =	vst.idx.msk $0xffff, v17  }
0x1e9: {  	v18 =	vadd.s32 v11, v19;
	v17 =	vld [tilespmem:s24+$0xFFFFFFA0];
	_ =	sdelay $0x4  }
0x1ea: {  	[tilespmem:v18+s18+$0x0] =	vst.idx.msk $0xffff, v17  }
0x1eb: {  	s30 =	simm.s32 $0x6;
	v18 =	vadd.s32 v12, v19;
	v17 =	vld [tilespmem:s24+$0xFFFFFFB0]  }
0x1ec: {  	v19 =	vmov s30  }
0x1ed: {  	v19 =	vshrl.u32 v19, $0x3  }
0x1ee: {  	v19 =	vshll.u32 v19, v1  }
0x1ef: {  	v19 =	vbroadcast v19, $0x0  }
0x1f0: {  	[tilespmem:v18+s18+$0x0] =	vst.idx.msk $0xffff, v17  }
0x1f1: {  	v18 =	vadd.s32 v13, v19;
	v17 =	vld [tilespmem:s24+$0xFFFFFFC0];
	_ =	sdelay $0x4  }
0x1f2: {  	[tilespmem:v18+s18+$0x0] =	vst.idx.msk $0xffff, v17  }
0x1f3: {  	s31 =	simm.s32 $0x7;
	v18 =	vadd.s32 v14, v19;
	v17 =	vld [tilespmem:s24+$0xFFFFFFD0]  }
0x1f4: {  	v19 =	vmov s31  }
0x1f5: {  	v19 =	vshrl.u32 v19, $0x3  }
0x1f6: {  	v19 =	vshll.u32 v19, v1  }
0x1f7: {  	v19 =	vbroadcast v19, $0x0  }
0x1f8: {  	[tilespmem:v18+s18+$0x0] =	vst.idx.msk $0xffff, v17  }
0x1f9: {  	v18 =	vadd.s32 v15, v19;
	v17 =	vld [tilespmem:s24+$0xFFFFFFE0];
	_ =	sdelay $0x4  }
0x1fa: {  	[tilespmem:v18+s18+$0x0] =	vst.idx.msk $0xffff, v17  }
0x1fb: {  	s26 =	simm.s32 $0x8;
	v18 =	vadd.s32 v16, v19;
	v17 =	vld [tilespmem:s24+$0xFFFFFFF0]  }
0x1fc: {  	v19 =	vmov s26  }
0x1fd: {  	v19 =	vshrl.u32 v19, $0x3  }
0x1fe: {  	v19 =	vshll.u32 v19, v1  }
0x1ff: {  	v19 =	vbroadcast v19, $0x0  }
0x200: {  	[tilespmem:v18+s18+$0x0] =	vst.idx.msk $0xffff, v17  }
0x201: {  	v18 =	vadd.s32 v0, v19;
	v17 =	vld [tilespmem:s24+$0x0];
	_ =	sdelay $0x4  }
0x202: {  	[tilespmem:v18+s18+$0x0] =	vst.idx.msk $0xffff, v17  }
0x203: {  	s29 =	simm.s32 $0x9;
	v18 =	vadd.s32 v2, v19;
	v17 =	vld [tilespmem:s24+$0x10]  }
0x204: {  	v19 =	vmov s29  }
0x205: {  	v19 =	vshrl.u32 v19, $0x3  }
0x206: {  	v19 =	vshll.u32 v19, v1  }
0x207: {  	v19 =	vbroadcast v19, $0x0  }
0x208: {  	[tilespmem:v18+s18+$0x0] =	vst.idx.msk $0xffff, v17  }
0x209: {  	v18 =	vadd.s32 v3, v19;
	v17 =	vld [tilespmem:s24+$0x20];
	_ =	sdelay $0x4  }
0x20a: {  	[tilespmem:v18+s18+$0x0] =	vst.idx.msk $0xffff, v17  }
0x20b: {  	s30 =	simm.s32 $0xA;
	v18 =	vadd.s32 v4, v19;
	v17 =	vld [tilespmem:s24+$0x30]  }
0x20c: {  	v19 =	vmov s30  }
0x20d: {  	v19 =	vshrl.u32 v19, $0x3  }
0x20e: {  	v19 =	vshll.u32 v19, v1  }
0x20f: {  	v19 =	vbroadcast v19, $0x0  }
0x210: {  	[tilespmem:v18+s18+$0x0] =	vst.idx.msk $0xffff, v17  }
0x211: {  	v18 =	vadd.s32 v5, v19;
	v17 =	vld [tilespmem:s24+$0x40];
	_ =	sdelay $0x4  }
0x212: {  	[tilespmem:v18+s18+$0x0] =	vst.idx.msk $0xffff, v17  }
0x213: {  	s31 =	simm.s32 $0xB;
	v18 =	vadd.s32 v6, v19;
	v17 =	vld [tilespmem:s24+$0x50]  }
0x214: {  	v19 =	vmov s31  }
0x215: {  	v19 =	vshrl.u32 v19, $0x3  }
0x216: {  	v19 =	vshll.u32 v19, v1  }
0x217: {  	v19 =	vbroadcast v19, $0x0  }
0x218: {  	[tilespmem:v18+s18+$0x0] =	vst.idx.msk $0xffff, v17  }
0x219: {  	v18 =	vadd.s32 v7, v19;
	v17 =	vld [tilespmem:s24+$0x60];
	_ =	sdelay $0x4  }
0x21a: {  	[tilespmem:v18+s18+$0x0] =	vst.idx.msk $0xffff, v17  }
0x21b: {  	s26 =	simm.s32 $0xC;
	v18 =	vadd.s32 v8, v19;
	v17 =	vld [tilespmem:s24+$0x70]  }
0x21c: {  	v19 =	vmov s26  }
0x21d: {  	v19 =	vshrl.u32 v19, $0x3  }
0x21e: {  	v19 =	vshll.u32 v19, v1  }
0x21f: {  	v19 =	vbroadcast v19, $0x0  }
0x220: {  	[tilespmem:v18+s18+$0x0] =	vst.idx.msk $0xffff, v17  }
0x221: {  	v18 =	vadd.s32 v9, v19;
	v17 =	vld [tilespmem:s24+$0x80];
	_ =	sdelay $0x4  }
0x222: {  	[tilespmem:v18+s18+$0x0] =	vst.idx.msk $0xffff, v17  }
0x223: {  	s29 =	simm.s32 $0xD;
	v18 =	vadd.s32 v10, v19;
	v17 =	vld [tilespmem:s24+$0x90]  }
0x224: {  	v19 =	vmov s29  }
0x225: {  	v19 =	vshrl.u32 v19, $0x3  }
0x226: {  	v19 =	vshll.u32 v19, v1  }
0x227: {  	v19 =	vbroadcast v19, $0x0  }
0x228: {  	[tilespmem:v18+s18+$0x0] =	vst.idx.msk $0xffff, v17  }
0x229: {  	v18 =	vadd.s32 v11, v19;
	v17 =	vld [tilespmem:s24+$0xA0];
	_ =	sdelay $0x4  }
0x22a: {  	[tilespmem:v18+s18+$0x0] =	vst.idx.msk $0xffff, v17  }
0x22b: {  	s30 =	simm.s32 $0xE;
	v18 =	vadd.s32 v12, v19;
	v17 =	vld [tilespmem:s24+$0xB0]  }
0x22c: {  	v19 =	vmov s30  }
0x22d: {  	v19 =	vshrl.u32 v19, $0x3  }
0x22e: {  	v19 =	vshll.u32 v19, v1  }
0x22f: {  	v19 =	vbroadcast v19, $0x0  }
0x230: {  	[tilespmem:v18+s18+$0x0] =	vst.idx.msk $0xffff, v17  }
0x231: {  	v18 =	vadd.s32 v13, v19;
	v17 =	vld [tilespmem:s24+$0xC0];
	_ =	sdelay $0x4  }
0x232: {  	[tilespmem:v18+s18+$0x0] =	vst.idx.msk $0xffff, v17  }
0x233: {  	s31 =	simm.s32 $0xF;
	v18 =	vadd.s32 v14, v19;
	v17 =	vld [tilespmem:s24+$0xD0]  }
0x234: {  	v19 =	vmov s31  }
0x235: {  	v19 =	vshrl.u32 v19, $0x3  }
0x236: {  	v19 =	vshll.u32 v19, v1  }
0x237: {  	v19 =	vbroadcast v19, $0x0  }
0x238: {  	[tilespmem:v18+s18+$0x0] =	vst.idx.msk $0xffff, v17  }
0x239: {  	v18 =	vadd.s32 v15, v19;
	v17 =	vld [tilespmem:s24+$0xE0];
	_ =	sdelay $0x4  }
0x23a: {  	[tilespmem:v18+s18+$0x0] =	vst.idx.msk $0xffff, v17  }
0x23b: {  	s28 =	simm.s32 $0x10;
	s25 =	simm.s32 $0x1F;
	s26 =	simm.s32 $0x2F;
	v18 =	vadd.s32 v16, v19;
	v17 =	vld [tilespmem:s24+$0xF0]  }
.LBB2_11:
0x23c: {  	p0 =	sne.s32 s26, $0x1FF;
	v19 =	vmov s28  }
0x23d: {  	v19 =	vshrl.u32 v19, $0x3  }
0x23e: {  	v19 =	vshll.u32 v19, v1  }
0x23f: {  	v19 =	vbroadcast v19, $0x0  }
0x240: {  	s24 =	sadd.s32 $0x200, s24;
	[tilespmem:v18+s18+$0x0] =	vst.idx.msk $0xffff, v17  }
0x241: {  	v17 =	vld [tilespmem:s24+$0xFFFFFF00];
	v18 =	vadd.s32 v0, v19;
	_ =	sdelay $0x4  }
0x242: {  	[tilespmem:v18+s18+$0x0] =	vst.idx.msk $0xffff, v17  }
0x243: {  	s28 =	sadd.s32 $0xFFFFFFF2, s25;
	v18 =	vadd.s32 v2, v19;
	v17 =	vld [tilespmem:s24+$0xFFFFFF10]  }
0x244: {  	v19 =	vmov s28  }
0x245: {  	v19 =	vshrl.u32 v19, $0x3  }
0x246: {  	v19 =	vshll.u32 v19, v1  }
0x247: {  	v19 =	vbroadcast v19, $0x0  }
0x248: {  	[tilespmem:v18+s18+$0x0] =	vst.idx.msk $0xffff, v17  }
0x249: {  	v18 =	vadd.s32 v3, v19;
	v17 =	vld [tilespmem:s24+$0xFFFFFF20];
	_ =	sdelay $0x4  }
0x24a: {  	[tilespmem:v18+s18+$0x0] =	vst.idx.msk $0xffff, v17  }
0x24b: {  	s28 =	sadd.s32 $0xFFFFFFF3, s25;
	v18 =	vadd.s32 v4, v19;
	v17 =	vld [tilespmem:s24+$0xFFFFFF30]  }
0x24c: {  	v19 =	vmov s28  }
0x24d: {  	v19 =	vshrl.u32 v19, $0x3  }
0x24e: {  	v19 =	vshll.u32 v19, v1  }
0x24f: {  	v19 =	vbroadcast v19, $0x0  }
0x250: {  	[tilespmem:v18+s18+$0x0] =	vst.idx.msk $0xffff, v17  }
0x251: {  	v18 =	vadd.s32 v5, v19;
	v17 =	vld [tilespmem:s24+$0xFFFFFF40];
	_ =	sdelay $0x4  }
0x252: {  	[tilespmem:v18+s18+$0x0] =	vst.idx.msk $0xffff, v17  }
0x253: {  	s28 =	sadd.s32 $0xFFFFFFF4, s25;
	v18 =	vadd.s32 v6, v19;
	v17 =	vld [tilespmem:s24+$0xFFFFFF50]  }
0x254: {  	v19 =	vmov s28  }
0x255: {  	v19 =	vshrl.u32 v19, $0x3  }
0x256: {  	v19 =	vshll.u32 v19, v1  }
0x257: {  	v19 =	vbroadcast v19, $0x0  }
0x258: {  	[tilespmem:v18+s18+$0x0] =	vst.idx.msk $0xffff, v17  }
0x259: {  	v18 =	vadd.s32 v7, v19;
	v17 =	vld [tilespmem:s24+$0xFFFFFF60];
	_ =	sdelay $0x4  }
0x25a: {  	[tilespmem:v18+s18+$0x0] =	vst.idx.msk $0xffff, v17  }
0x25b: {  	s28 =	sadd.s32 $0xFFFFFFF5, s25;
	v18 =	vadd.s32 v8, v19;
	v17 =	vld [tilespmem:s24+$0xFFFFFF70]  }
0x25c: {  	v19 =	vmov s28  }
0x25d: {  	v19 =	vshrl.u32 v19, $0x3  }
0x25e: {  	v19 =	vshll.u32 v19, v1  }
0x25f: {  	v19 =	vbroadcast v19, $0x0  }
0x260: {  	[tilespmem:v18+s18+$0x0] =	vst.idx.msk $0xffff, v17  }
0x261: {  	v18 =	vadd.s32 v9, v19;
	v17 =	vld [tilespmem:s24+$0xFFFFFF80];
	_ =	sdelay $0x4  }
0x262: {  	[tilespmem:v18+s18+$0x0] =	vst.idx.msk $0xffff, v17  }
0x263: {  	s28 =	sadd.s32 $0xFFFFFFF6, s25;
	v18 =	vadd.s32 v10, v19;
	v17 =	vld [tilespmem:s24+$0xFFFFFF90]  }
0x264: {  	v19 =	vmov s28  }
0x265: {  	v19 =	vshrl.u32 v19, $0x3  }
0x266: {  	v19 =	vshll.u32 v19, v1  }
0x267: {  	v19 =	vbroadcast v19, $0x0  }
0x268: {  	[tilespmem:v18+s18+$0x0] =	vst.idx.msk $0xffff, v17  }
0x269: {  	v18 =	vadd.s32 v11, v19;
	v17 =	vld [tilespmem:s24+$0xFFFFFFA0];
	_ =	sdelay $0x4  }
0x26a: {  	[tilespmem:v18+s18+$0x0] =	vst.idx.msk $0xffff, v17  }
0x26b: {  	s28 =	sadd.s32 $0xFFFFFFF7, s25;
	v18 =	vadd.s32 v12, v19;
	v17 =	vld [tilespmem:s24+$0xFFFFFFB0]  }
0x26c: {  	v19 =	vmov s28  }
0x26d: {  	v19 =	vshrl.u32 v19, $0x3  }
0x26e: {  	v19 =	vshll.u32 v19, v1  }
0x26f: {  	v19 =	vbroadcast v19, $0x0  }
0x270: {  	[tilespmem:v18+s18+$0x0] =	vst.idx.msk $0xffff, v17  }
0x271: {  	v18 =	vadd.s32 v13, v19;
	v17 =	vld [tilespmem:s24+$0xFFFFFFC0];
	_ =	sdelay $0x4  }
0x272: {  	[tilespmem:v18+s18+$0x0] =	vst.idx.msk $0xffff, v17  }
0x273: {  	s28 =	sadd.s32 $0xFFFFFFF8, s25;
	v18 =	vadd.s32 v14, v19;
	v17 =	vld [tilespmem:s24+$0xFFFFFFD0]  }
0x274: {  	v19 =	vmov s28  }
0x275: {  	v19 =	vshrl.u32 v19, $0x3  }
0x276: {  	v19 =	vshll.u32 v19, v1  }
0x277: {  	v19 =	vbroadcast v19, $0x0  }
0x278: {  	[tilespmem:v18+s18+$0x0] =	vst.idx.msk $0xffff, v17  }
0x279: {  	v18 =	vadd.s32 v15, v19;
	v17 =	vld [tilespmem:s24+$0xFFFFFFE0];
	_ =	sdelay $0x4  }
0x27a: {  	[tilespmem:v18+s18+$0x0] =	vst.idx.msk $0xffff, v17  }
0x27b: {  	s28 =	sadd.s32 $0xFFFFFFF9, s25;
	v18 =	vadd.s32 v16, v19;
	v17 =	vld [tilespmem:s24+$0xFFFFFFF0]  }
0x27c: {  	v19 =	vmov s28  }
0x27d: {  	v19 =	vshrl.u32 v19, $0x3  }
0x27e: {  	v19 =	vshll.u32 v19, v1  }
0x27f: {  	v19 =	vbroadcast v19, $0x0  }
0x280: {  	[tilespmem:v18+s18+$0x0] =	vst.idx.msk $0xffff, v17  }
0x281: {  	v18 =	vadd.s32 v0, v19;
	v17 =	vld [tilespmem:s24+$0x0];
	_ =	sdelay $0x4  }
0x282: {  	[tilespmem:v18+s18+$0x0] =	vst.idx.msk $0xffff, v17  }
0x283: {  	s28 =	sadd.s32 $0xFFFFFFFA, s25;
	v18 =	vadd.s32 v2, v19;
	v17 =	vld [tilespmem:s24+$0x10]  }
0x284: {  	v19 =	vmov s28  }
0x285: {  	v19 =	vshrl.u32 v19, $0x3  }
0x286: {  	v19 =	vshll.u32 v19, v1  }
0x287: {  	v19 =	vbroadcast v19, $0x0  }
0x288: {  	[tilespmem:v18+s18+$0x0] =	vst.idx.msk $0xffff, v17  }
0x289: {  	v18 =	vadd.s32 v3, v19;
	v17 =	vld [tilespmem:s24+$0x20];
	_ =	sdelay $0x4  }
0x28a: {  	[tilespmem:v18+s18+$0x0] =	vst.idx.msk $0xffff, v17  }
0x28b: {  	s28 =	sadd.s32 $0xFFFFFFFB, s25;
	v18 =	vadd.s32 v4, v19;
	v17 =	vld [tilespmem:s24+$0x30]  }
0x28c: {  	v19 =	vmov s28  }
0x28d: {  	v19 =	vshrl.u32 v19, $0x3  }
0x28e: {  	v19 =	vshll.u32 v19, v1  }
0x28f: {  	v19 =	vbroadcast v19, $0x0  }
0x290: {  	[tilespmem:v18+s18+$0x0] =	vst.idx.msk $0xffff, v17  }
0x291: {  	v18 =	vadd.s32 v5, v19;
	v17 =	vld [tilespmem:s24+$0x40];
	_ =	sdelay $0x4  }
0x292: {  	[tilespmem:v18+s18+$0x0] =	vst.idx.msk $0xffff, v17  }
0x293: {  	s28 =	sadd.s32 $0xFFFFFFFC, s25;
	v18 =	vadd.s32 v6, v19;
	v17 =	vld [tilespmem:s24+$0x50]  }
0x294: {  	v19 =	vmov s28  }
0x295: {  	v19 =	vshrl.u32 v19, $0x3  }
0x296: {  	v19 =	vshll.u32 v19, v1  }
0x297: {  	v19 =	vbroadcast v19, $0x0  }
0x298: {  	[tilespmem:v18+s18+$0x0] =	vst.idx.msk $0xffff, v17  }
0x299: {  	v18 =	vadd.s32 v7, v19;
	v17 =	vld [tilespmem:s24+$0x60];
	_ =	sdelay $0x4  }
0x29a: {  	[tilespmem:v18+s18+$0x0] =	vst.idx.msk $0xffff, v17  }
0x29b: {  	s28 =	sadd.s32 $0xFFFFFFFD, s25;
	v18 =	vadd.s32 v8, v19;
	v17 =	vld [tilespmem:s24+$0x70]  }
0x29c: {  	v19 =	vmov s28  }
0x29d: {  	v19 =	vshrl.u32 v19, $0x3  }
0x29e: {  	v19 =	vshll.u32 v19, v1  }
0x29f: {  	v19 =	vbroadcast v19, $0x0  }
0x2a0: {  	[tilespmem:v18+s18+$0x0] =	vst.idx.msk $0xffff, v17  }
0x2a1: {  	v18 =	vadd.s32 v9, v19;
	v17 =	vld [tilespmem:s24+$0x80];
	_ =	sdelay $0x4  }
0x2a2: {  	[tilespmem:v18+s18+$0x0] =	vst.idx.msk $0xffff, v17  }
0x2a3: {  	s28 =	sadd.s32 $0xFFFFFFFE, s25;
	v18 =	vadd.s32 v10, v19;
	v17 =	vld [tilespmem:s24+$0x90]  }
0x2a4: {  	v19 =	vmov s28  }
0x2a5: {  	v19 =	vshrl.u32 v19, $0x3  }
0x2a6: {  	v19 =	vshll.u32 v19, v1  }
0x2a7: {  	v19 =	vbroadcast v19, $0x0  }
0x2a8: {  	[tilespmem:v18+s18+$0x0] =	vst.idx.msk $0xffff, v17  }
0x2a9: {  	v18 =	vadd.s32 v11, v19;
	v17 =	vld [tilespmem:s24+$0xA0];
	_ =	sdelay $0x4  }
0x2aa: {  	[tilespmem:v18+s18+$0x0] =	vst.idx.msk $0xffff, v17  }
0x2ab: {  	s28 =	sadd.s32 $0xFFFFFFFF, s25;
	v18 =	vadd.s32 v12, v19;
	v17 =	vld [tilespmem:s24+$0xB0]  }
0x2ac: {  	v19 =	vmov s28  }
0x2ad: {  	v19 =	vshrl.u32 v19, $0x3  }
0x2ae: {  	v19 =	vshll.u32 v19, v1  }
0x2af: {  	v19 =	vbroadcast v19, $0x0  }
0x2b0: {  	[tilespmem:v18+s18+$0x0] =	vst.idx.msk $0xffff, v17  }
0x2b1: {  	v18 =	vadd.s32 v13, v19;
	v17 =	vld [tilespmem:s24+$0xC0];
	_ =	sdelay $0x4  }
0x2b2: {  	[tilespmem:v18+s18+$0x0] =	vst.idx.msk $0xffff, v17  }
0x2b3: {  	v18 =	vadd.s32 v14, v19;
	v17 =	vld [tilespmem:s24+$0xD0]  }
0x2b4: {  	v19 =	vmov s25;
	s25 =	smov.u32 s26  }
0x2b5: {  	v19 =	vshrl.u32 v19, $0x3  }
0x2b6: {  	v19 =	vshll.u32 v19, v1  }
0x2b7: {  	v19 =	vbroadcast v19, $0x0  }
0x2b8: {  	[tilespmem:v18+s18+$0x0] =	vst.idx.msk $0xffff, v17  }
0x2b9: {  	v18 =	vadd.s32 v15, v19;
	v17 =	vld [tilespmem:s24+$0xE0];
	_ =	sdelay $0x1  }
.Ltmp7:
0x2ba: {  	(pc) =	sbr.rel @p0 .LBB2_11-.Ltmp7, $3  }
0x2bb: {  	_ =	sdelay $0x1  }
0x2bc: {  	[tilespmem:v18+s18+$0x0] =	vst.idx.msk $0xffff, v17  }
0x2bd: {  	s26 =	sadd.s32 $0x10, s26;
	s28 =	sadd.s32 $0xFFFFFFF1, s25;
	v18 =	vadd.s32 v16, v19;
	v17 =	vld [tilespmem:s24+$0xF0]  }
0x2be: {  	v19 =	vmov s28  }
0x2bf: {  	v19 =	vshrl.u32 v19, $0x3  }
0x2c0: {  	v19 =	vshll.u32 v19, v1  }
0x2c1: {  	v19 =	vbroadcast v19, $0x0  }
0x2c2: {  	s24 =	sadd.s32 $0x200, s24;
	[tilespmem:v18+s18+$0x0] =	vst.idx.msk $0xffff, v17  }
0x2c3: {  	v17 =	vld [tilespmem:s24+$0xFFFFFF00];
	v18 =	vadd.s32 v0, v19;
	_ =	sdelay $0x4  }
0x2c4: {  	[tilespmem:v18+s18+$0x0] =	vst.idx.msk $0xffff, v17  }
0x2c5: {  	s26 =	sadd.s32 $0xFFFFFFF2, s25;
	v18 =	vadd.s32 v2, v19;
	v17 =	vld [tilespmem:s24+$0xFFFFFF10]  }
0x2c6: {  	v19 =	vmov s26  }
0x2c7: {  	v19 =	vshrl.u32 v19, $0x3  }
0x2c8: {  	v19 =	vshll.u32 v19, v1  }
0x2c9: {  	v19 =	vbroadcast v19, $0x0  }
0x2ca: {  	[tilespmem:v18+s18+$0x0] =	vst.idx.msk $0xffff, v17  }
0x2cb: {  	v18 =	vadd.s32 v3, v19;
	v17 =	vld [tilespmem:s24+$0xFFFFFF20];
	_ =	sdelay $0x4  }
0x2cc: {  	[tilespmem:v18+s18+$0x0] =	vst.idx.msk $0xffff, v17  }
0x2cd: {  	s31 =	sadd.s32 $0xFFFFFFF3, s25;
	v18 =	vadd.s32 v4, v19;
	v17 =	vld [tilespmem:s24+$0xFFFFFF30]  }
0x2ce: {  	v19 =	vmov s31  }
0x2cf: {  	v19 =	vshrl.u32 v19, $0x3  }
0x2d0: {  	v19 =	vshll.u32 v19, v1  }
0x2d1: {  	v19 =	vbroadcast v19, $0x0  }
0x2d2: {  	[tilespmem:v18+s18+$0x0] =	vst.idx.msk $0xffff, v17  }
0x2d3: {  	v18 =	vadd.s32 v5, v19;
	v17 =	vld [tilespmem:s24+$0xFFFFFF40];
	_ =	sdelay $0x4  }
0x2d4: {  	[tilespmem:v18+s18+$0x0] =	vst.idx.msk $0xffff, v17  }
0x2d5: {  	s29 =	sadd.s32 $0xFFFFFFF4, s25;
	v18 =	vadd.s32 v6, v19;
	v17 =	vld [tilespmem:s24+$0xFFFFFF50]  }
0x2d6: {  	v19 =	vmov s29  }
0x2d7: {  	v19 =	vshrl.u32 v19, $0x3  }
0x2d8: {  	v19 =	vshll.u32 v19, v1  }
0x2d9: {  	v19 =	vbroadcast v19, $0x0  }
0x2da: {  	[tilespmem:v18+s18+$0x0] =	vst.idx.msk $0xffff, v17  }
0x2db: {  	v18 =	vadd.s32 v7, v19;
	v17 =	vld [tilespmem:s24+$0xFFFFFF60];
	_ =	sdelay $0x4  }
0x2dc: {  	[tilespmem:v18+s18+$0x0] =	vst.idx.msk $0xffff, v17  }
0x2dd: {  	s30 =	sadd.s32 $0xFFFFFFF5, s25;
	v18 =	vadd.s32 v8, v19;
	v17 =	vld [tilespmem:s24+$0xFFFFFF70]  }
0x2de: {  	v19 =	vmov s30  }
0x2df: {  	v19 =	vshrl.u32 v19, $0x3  }
0x2e0: {  	v19 =	vshll.u32 v19, v1  }
0x2e1: {  	v19 =	vbroadcast v19, $0x0  }
0x2e2: {  	[tilespmem:v18+s18+$0x0] =	vst.idx.msk $0xffff, v17  }
0x2e3: {  	v18 =	vadd.s32 v9, v19;
	v17 =	vld [tilespmem:s24+$0xFFFFFF80];
	_ =	sdelay $0x4  }
0x2e4: {  	[tilespmem:v18+s18+$0x0] =	vst.idx.msk $0xffff, v17  }
0x2e5: {  	s31 =	sadd.s32 $0xFFFFFFF6, s25;
	v18 =	vadd.s32 v10, v19;
	v17 =	vld [tilespmem:s24+$0xFFFFFF90]  }
0x2e6: {  	v19 =	vmov s31  }
0x2e7: {  	v19 =	vshrl.u32 v19, $0x3  }
0x2e8: {  	v19 =	vshll.u32 v19, v1  }
0x2e9: {  	v19 =	vbroadcast v19, $0x0  }
0x2ea: {  	[tilespmem:v18+s18+$0x0] =	vst.idx.msk $0xffff, v17  }
0x2eb: {  	v18 =	vadd.s32 v11, v19;
	v17 =	vld [tilespmem:s24+$0xFFFFFFA0];
	_ =	sdelay $0x4  }
0x2ec: {  	[tilespmem:v18+s18+$0x0] =	vst.idx.msk $0xffff, v17  }
0x2ed: {  	s29 =	sadd.s32 $0xFFFFFFF7, s25;
	v18 =	vadd.s32 v12, v19;
	v17 =	vld [tilespmem:s24+$0xFFFFFFB0]  }
0x2ee: {  	v19 =	vmov s29  }
0x2ef: {  	v19 =	vshrl.u32 v19, $0x3  }
0x2f0: {  	v19 =	vshll.u32 v19, v1  }
0x2f1: {  	v19 =	vbroadcast v19, $0x0  }
0x2f2: {  	[tilespmem:v18+s18+$0x0] =	vst.idx.msk $0xffff, v17  }
0x2f3: {  	v18 =	vadd.s32 v13, v19;
	v17 =	vld [tilespmem:s24+$0xFFFFFFC0];
	_ =	sdelay $0x4  }
0x2f4: {  	[tilespmem:v18+s18+$0x0] =	vst.idx.msk $0xffff, v17  }
0x2f5: {  	s30 =	sadd.s32 $0xFFFFFFF8, s25;
	v18 =	vadd.s32 v14, v19;
	v17 =	vld [tilespmem:s24+$0xFFFFFFD0]  }
0x2f6: {  	v19 =	vmov s30  }
0x2f7: {  	v19 =	vshrl.u32 v19, $0x3  }
0x2f8: {  	v19 =	vshll.u32 v19, v1  }
0x2f9: {  	v19 =	vbroadcast v19, $0x0  }
0x2fa: {  	[tilespmem:v18+s18+$0x0] =	vst.idx.msk $0xffff, v17  }
0x2fb: {  	v18 =	vadd.s32 v15, v19;
	v17 =	vld [tilespmem:s24+$0xFFFFFFE0];
	_ =	sdelay $0x4  }
0x2fc: {  	[tilespmem:v18+s18+$0x0] =	vst.idx.msk $0xffff, v17  }
0x2fd: {  	s31 =	sadd.s32 $0xFFFFFFF9, s25;
	v18 =	vadd.s32 v16, v19;
	v17 =	vld [tilespmem:s24+$0xFFFFFFF0]  }
0x2fe: {  	v19 =	vmov s31  }
0x2ff: {  	v19 =	vshrl.u32 v19, $0x3  }
0x300: {  	v19 =	vshll.u32 v19, v1  }
0x301: {  	v19 =	vbroadcast v19, $0x0  }
0x302: {  	[tilespmem:v18+s18+$0x0] =	vst.idx.msk $0xffff, v17  }
0x303: {  	v18 =	vadd.s32 v0, v19;
	v17 =	vld [tilespmem:s24+$0x0];
	_ =	sdelay $0x4  }
0x304: {  	[tilespmem:v18+s18+$0x0] =	vst.idx.msk $0xffff, v17  }
0x305: {  	s29 =	sadd.s32 $0xFFFFFFFA, s25;
	v18 =	vadd.s32 v2, v19;
	v17 =	vld [tilespmem:s24+$0x10]  }
0x306: {  	v19 =	vmov s29  }
0x307: {  	v19 =	vshrl.u32 v19, $0x3  }
0x308: {  	v19 =	vshll.u32 v19, v1  }
0x309: {  	v19 =	vbroadcast v19, $0x0  }
0x30a: {  	[tilespmem:v18+s18+$0x0] =	vst.idx.msk $0xffff, v17  }
0x30b: {  	v18 =	vadd.s32 v3, v19;
	v17 =	vld [tilespmem:s24+$0x20];
	_ =	sdelay $0x4  }
0x30c: {  	[tilespmem:v18+s18+$0x0] =	vst.idx.msk $0xffff, v17  }
0x30d: {  	s30 =	sadd.s32 $0xFFFFFFFB, s25;
	v18 =	vadd.s32 v4, v19;
	v17 =	vld [tilespmem:s24+$0x30]  }
0x30e: {  	v19 =	vmov s30  }
0x30f: {  	v19 =	vshrl.u32 v19, $0x3  }
0x310: {  	v19 =	vshll.u32 v19, v1  }
0x311: {  	v19 =	vbroadcast v19, $0x0  }
0x312: {  	[tilespmem:v18+s18+$0x0] =	vst.idx.msk $0xffff, v17  }
0x313: {  	v18 =	vadd.s32 v5, v19;
	v17 =	vld [tilespmem:s24+$0x40];
	_ =	sdelay $0x4  }
0x314: {  	[tilespmem:v18+s18+$0x0] =	vst.idx.msk $0xffff, v17  }
0x315: {  	s31 =	sadd.s32 $0xFFFFFFFC, s25;
	v18 =	vadd.s32 v6, v19;
	v17 =	vld [tilespmem:s24+$0x50]  }
0x316: {  	v19 =	vmov s31  }
0x317: {  	v19 =	vshrl.u32 v19, $0x3  }
0x318: {  	v19 =	vshll.u32 v19, v1  }
0x319: {  	v19 =	vbroadcast v19, $0x0  }
0x31a: {  	[tilespmem:v18+s18+$0x0] =	vst.idx.msk $0xffff, v17  }
0x31b: {  	v18 =	vadd.s32 v7, v19;
	v17 =	vld [tilespmem:s24+$0x60];
	_ =	sdelay $0x4  }
0x31c: {  	[tilespmem:v18+s18+$0x0] =	vst.idx.msk $0xffff, v17  }
0x31d: {  	s29 =	sadd.s32 $0xFFFFFFFD, s25;
	v18 =	vadd.s32 v8, v19;
	v17 =	vld [tilespmem:s24+$0x70]  }
0x31e: {  	v19 =	vmov s29  }
0x31f: {  	v19 =	vshrl.u32 v19, $0x3  }
0x320: {  	v19 =	vshll.u32 v19, v1  }
0x321: {  	v19 =	vbroadcast v19, $0x0  }
0x322: {  	[tilespmem:v18+s18+$0x0] =	vst.idx.msk $0xffff, v17  }
0x323: {  	v18 =	vadd.s32 v9, v19;
	v17 =	vld [tilespmem:s24+$0x80];
	_ =	sdelay $0x4  }
0x324: {  	[tilespmem:v18+s18+$0x0] =	vst.idx.msk $0xffff, v17  }
0x325: {  	s30 =	sadd.s32 $0xFFFFFFFE, s25;
	v18 =	vadd.s32 v10, v19;
	v17 =	vld [tilespmem:s24+$0x90]  }
0x326: {  	v19 =	vmov s30  }
0x327: {  	v19 =	vshrl.u32 v19, $0x3  }
0x328: {  	v19 =	vshll.u32 v19, v1  }
0x329: {  	v19 =	vbroadcast v19, $0x0  }
0x32a: {  	[tilespmem:v18+s18+$0x0] =	vst.idx.msk $0xffff, v17  }
0x32b: {  	v18 =	vadd.s32 v11, v19;
	v17 =	vld [tilespmem:s24+$0xA0];
	_ =	sdelay $0x4  }
0x32c: {  	[tilespmem:v18+s18+$0x0] =	vst.idx.msk $0xffff, v17  }
0x32d: {  	s31 =	sadd.s32 $0xFFFFFFFF, s25;
	v18 =	vadd.s32 v12, v19;
	v17 =	vld [tilespmem:s24+$0xB0]  }
0x32e: {  	v19 =	vmov s31  }
0x32f: {  	v19 =	vshrl.u32 v19, $0x3  }
0x330: {  	v19 =	vshll.u32 v19, v1  }
0x331: {  	v19 =	vbroadcast v19, $0x0  }
0x332: {  	[tilespmem:v18+s18+$0x0] =	vst.idx.msk $0xffff, v17  }
0x333: {  	v18 =	vadd.s32 v13, v19;
	v17 =	vld [tilespmem:s24+$0xC0];
	_ =	sdelay $0x4  }
0x334: {  	[tilespmem:v18+s18+$0x0] =	vst.idx.msk $0xffff, v17  }
0x335: {  	v18 =	vadd.s32 v14, v19;
	v17 =	vld [tilespmem:s24+$0xD0]  }
0x336: {  	v19 =	vmov s25  }
0x337: {  	v19 =	vshrl.u32 v19, $0x3  }
0x338: {  	v19 =	vshll.u32 v19, v1  }
0x339: {  	v19 =	vbroadcast v19, $0x0  }
0x33a: {  	[tilespmem:v18+s18+$0x0] =	vst.idx.msk $0xffff, v17  }
0x33b: {  	v18 =	vadd.s32 v15, v19;
	v17 =	vld [tilespmem:s24+$0xE0];
	_ =	sdelay $0x4  }
0x33c: {  	[tilespmem:v18+s18+$0x0] =	vst.idx.msk $0xffff, v17  }
0x33d: {  	v18 =	vadd.s32 v16, v19;
	v17 =	vld [tilespmem:s24+$0xF0];
	_ =	sdelay $0x2  }
0x33e: {  	s23 =	sadd.s32 s23, s7  }
0x33f: {  	s28 =	sadd.s32 $0x0, s23  }
0x340: {  	s26 =	simm.s32 $0x12708;
	s25 =	simm.s32 $0x800;
	s24 =	simm.s32 $0x12500;
	[tilespmem:v18+s18+$0x0] =	vst.idx.msk $0xffff, v17  }
.LBB2_13:
0x341: {  	[hbm4b:s28+s2] =	stream.linear.scatter [tilespmem:s24], [sflag:$0x4], $0x200, $0x38;
	[tilespmem:$0x16600] =	vst v63  }
0x342: {  	s28 =	smov.u32 s25;
	s24 =	smov.u32 s26;
	p0 =	sne.s32 s25, $0xF800  }
.Ltmp8:
0x343: {  	s25 =	sadd.s32 $0x800, s25;
	(pc) =	sbr.rel @p0 .LBB2_13-.Ltmp8, $2  }
0x344: {  	_ =	sdelay $0x2  }
0x345: {  	s26 =	sadd.s32 $0x208, s26;
	s28 =	sadd.s32 s28, s23  }
0x346: {  	p0 =	seq.s32 s21, $0x18  }
.Ltmp9:
0x347: {  	_ = 	snop;
	(pc) =	sbr.rel @p0 .LBB2_16-.Ltmp9, $2  }
0x348: {  	_ =	sdelay $0x2  }
0x349: {  	[hbm4b:s28+s2] =	stream.linear.scatter [tilespmem:s24], [sflag:$0x4], $0x200, $0x38;
	[tilespmem:$0x16600] =	vst v63  }
.Ltmp10:
0x34a: {  	(pc) =	sbr.rel .LBB2_2-.Ltmp10, $4  }
0x34b: {  	_ = 	snop  }
0x34c: {  	s22 =	sshrl.u32 s22, $0x2  }
0x34d: {  	s21 =	sadd.s32 $0x1, s21;
	s22 =	sadd.s32 $0x600, s22  }
0x34e: {  	[tilespmem:s13], [sflag:$0x2] =	stream.indirect.gather [hbm4b:s3+s9], $0x20, s22, s9, $0xb8;
	[tilespmem:$0x16600] =	vst v63  }
.LBB2_17:
0x34f: {  	_ =	sfence.sel $0x180000  }
0x350: {  	[bflag:$0x0] =	sbarrier.arrive $0xFFFF  }
0x351: {  	p0 =	sne.s32 s1, $0x0;
	_ =	strace $0x90000047  }
0x352: {  	s0 =	sadd.s32 @!p0 $0x100000, s0;
	[bflag:$0x2] =	sbarrier.arrive $0xFFFF  }
0x353: {  	[sflag:s0] =	ssyncadd.tile.s32 @!p0 $0x1;
	_ =	shalt  }
.Lfunc_end2:
_tile_overlayer_lowered:
.L_overlay_start_2:
0x354: {  	(tag) =	ssettag $0x2  }
0x355: {  	s0 =	rddreg [dreg:$0x0];
	s2 =	stileid.u32  }
0x356: {  	s1 =	rddreg [dreg:$0x1];
	p0 =	sne.s32 s2, $0x0  }
0x357: {  	s3 =	rddreg [dreg:$0x2];
	[bflag:$0x3] =	sbarrier.arrive $0xFFFF;
	s2 =	simm.s32 @!p0 $0x1C05  }
0x358: {  	[timem:s3], [sflag:s2] =	dma.local @!p0 [hbm:s0], s1  }
0x359: {  	s0 =	simm.s32 @!p0 $0x5  }
0x35a: {  	_ =	swait.ge @!p0 [sflag:s0], s1  }
0x35b: {  	s1 =	ssub.s32 @!p0 $0x0, s1;
	[sflag:s0] =	ssyncset.done @!p0 $0x0  }
0x35c: {  	[sflag:s0] =	ssyncadd.s32 @!p0 s1  }
0x35d: {  	[bflag:$0x3] =	sbarrier.arrive $0xFFFF  }
0x35e: {  	_ =	shalt  }

</sc_bundles>
